<compile_context>
chip_gen: v7x
topology: tpu7x:2x2x1
jax: 0.10.2.dev20260603
libtpu: 0.0.44.dev20260713+nightly
codegen_flags: <defaults>
</compile_context>

<pallas_src>
import functools

import jax
import jax.numpy as jnp
from jax import lax
from jax.experimental import pallas as pl
from jax.experimental.pallas import tpu as pltpu
from jax.experimental.pallas import tpu_sc as plsc

N = 10000
K = 32
D = 128
V = 100000

NC = 2
NS = 16
NW = NC * NS
E_PER_W = (N * K) // NW
CE = 80
G = 5
CB = G * CE
NB = E_PER_W // CB
NE = E_PER_W // CE
U_PAD = 10240
U_PER_W = U_PAD // NW
CU = 80
NU = U_PER_W // CU


def _sc_gather_body(table_hbm, eidx_hbm, uidx_hbm, out_e, out_u,
                    eidx_v, uidx_v, big0, big1, ubuf,
                    gsem0, gsem1, usem):
    wid = lax.axis_index("s") * NC + lax.axis_index("c")
    ebase = wid * E_PER_W
    ubase = wid * U_PER_W

    pltpu.sync_copy(eidx_hbm.at[wid], eidx_v)
    pltpu.sync_copy(uidx_hbm.at[wid], uidx_v)

    bigs = (big0, big1)
    gsems = (gsem0, gsem1)

    def fire(b, m):
        for j in range(G):
            c = m * G + j
            pltpu.async_copy(table_hbm.at[eidx_v.at[c]],
                             bigs[b].at[pl.ds(j * CE, CE)], gsems[b])

    def drain(b, m):
        for j in range(G):
            c = m * G + j
            pltpu.make_async_copy(table_hbm.at[eidx_v.at[c]],
                                  bigs[b].at[pl.ds(j * CE, CE)],
                                  gsems[b]).wait()

    for b in range(2):
        fire(b, b)

    def body(i, carry):
        for b in range(2):
            m = 2 * i + b
            drain(b, m)
            nxt = m + 2

            pltpu.sync_copy(bigs[b], out_e.at[pl.ds(ebase + m * CB, CB)])

            @pl.when(nxt < NB)
            def _():
                fire(b, nxt)
        return carry

    lax.fori_loop(0, NB // 2, body, 0)
    for m in range(2 * (NB // 2), NB):
        b = m % 2
        drain(b, m)
        pltpu.sync_copy(bigs[b], out_e.at[pl.ds(ebase + m * CB, CB)])

    def ubody(c, carry):
        pltpu.async_copy(table_hbm.at[uidx_v.at[c]], ubuf, usem).wait()
        pltpu.sync_copy(ubuf, out_u.at[pl.ds(ubase + c * CU, CU)])
        return carry

    lax.fori_loop(0, NU, ubody, 0)


@functools.cache
def _sc_gather():
    mesh = plsc.VectorSubcoreMesh(core_axis_name="c", subcore_axis_name="s")
    return pl.kernel(
        _sc_gather_body,
        mesh=mesh,
        out_type=(
            jax.ShapeDtypeStruct((N * K, D), jnp.float32),
            jax.ShapeDtypeStruct((U_PAD, D), jnp.float32),
        ),
        scratch_types=[
            pltpu.VMEM((NE, CE), jnp.int32),
            pltpu.VMEM((NU, CU), jnp.int32),
            pltpu.VMEM((CB, D), jnp.float32),
            pltpu.VMEM((CB, D), jnp.float32),
            pltpu.VMEM((CU, D), jnp.float32),
            pltpu.SemaphoreType.DMA,
            pltpu.SemaphoreType.DMA,
            pltpu.SemaphoreType.DMA,
        ],
    )


BN = 400


def _tc_body(e_ref, u_ref, w1a_ref, w1b_ref, w2_ref, w3_ref, b1_ref,
             o_ref):
    x = e_ref[...]
    u = u_ref[...]
    hu = jnp.dot(u.astype(jnp.bfloat16), w1b_ref[...],
                 preferred_element_type=jnp.float32)
    hu = hu + b1_ref[...]

    x2 = x.reshape(K * BN, D).astype(jnp.bfloat16)
    t1 = jnp.dot(x2, w1a_ref[...], preferred_element_type=jnp.float32)
    h1 = jnp.maximum(t1.reshape(K, BN, D) + hu[None], 0.0)
    t2 = jnp.dot(h1.reshape(K * BN, D).astype(jnp.bfloat16), w2_ref[...],
                 preferred_element_type=jnp.float32)
    h2 = jnp.maximum(t2.reshape(K, BN, D), 0.0)
    s = jnp.sum(h2 * w3_ref[...][None], axis=2, keepdims=True)
    m = jnp.max(s, axis=0, keepdims=True)
    e = jnp.exp(s - m)
    den = jnp.sum(e, axis=0)
    out = jnp.sum(e * x, axis=0) / den
    o_ref[...] = out


def _tc_mlp(e3, urep, W1a, W1b, W2, w3t, b1):
    grid = (N // BN,)
    return pl.pallas_call(
        _tc_body,
        grid=grid,
        in_specs=[
            pl.BlockSpec((K, BN, D), lambda i: (0, i, 0)),
            pl.BlockSpec((BN, D), lambda i: (i, 0)),
            pl.BlockSpec((D, D), lambda i: (0, 0)),
            pl.BlockSpec((D, D), lambda i: (0, 0)),
            pl.BlockSpec((D, D), lambda i: (0, 0)),
            pl.BlockSpec((1, D), lambda i: (0, 0)),
            pl.BlockSpec((1, D), lambda i: (0, 0)),
        ],
        out_specs=pl.BlockSpec((BN, D), lambda i: (i, 0)),
        out_shape=jax.ShapeDtypeStruct((N, D), jnp.float32),
        compiler_params=pltpu.CompilerParams(
            dimension_semantics=("parallel",)),
    )(e3, urep, W1a, W1b, W2, w3t, b1)


def kernel(nodes, to_neighs, u2e, W1, b1, W2, b2, W3, b3):
    nodes = nodes.astype(jnp.int32)
    to_neighs = to_neighs.astype(jnp.int32)
    eidx = to_neighs.T.reshape(NW, NE, CE)
    uidx = jnp.concatenate(
        [nodes, jnp.zeros((U_PAD - N,), jnp.int32)]).reshape(NW, NU, CU)
    rows_e, rows_u = _sc_gather()(u2e, eidx, uidx)
    e3 = rows_e.reshape(K, N, D)
    out = _tc_mlp(e3, rows_u,
                  W1[:D].astype(jnp.bfloat16), W1[D:].astype(jnp.bfloat16),
                  W2.astype(jnp.bfloat16), W3.T,
                  b1.reshape(1, D))
    return out

# --- scband reference (transcript-rebuilt; emitter-appended) ---
"""Pipeline reference for scband-social-aggregator-3126736192353 (READ-ONLY COPY).

The authoritative reference and input builder live on the scoring server;
editing this copy changes nothing except your own understanding.
"""

import jax, jax.numpy as jnp
import numpy as np

N = 10000   # batch of nodes to aggregate
K = 32      # neighbors per node (padded/fixed degree)
D = 128     # embed_dim
V = 100000  # number of users in u2e table


def setup_inputs(seed: int = 0) -> dict:
    key = jax.random.key(seed)
    ks = jax.random.split(key, 8)
    nodes = jax.random.randint(ks[0], (N,), 0, V)
    to_neighs = jax.random.randint(ks[1], (N, K), 0, V)
    u2e = jax.random.normal(ks[2], (V, D), dtype=jnp.float32) * 0.02
    # GraphRec-style Attention(embed_dim): Linear(2D->D) -> ReLU -> Linear(D->D) -> ReLU -> Linear(D->1) -> softmax over neighbors
    W1 = jax.random.normal(ks[3], (2 * D, D), dtype=jnp.float32) * (1.0 / np.sqrt(2 * D))
    b1 = jnp.zeros((D,), dtype=jnp.float32)
    W2 = jax.random.normal(ks[4], (D, D), dtype=jnp.float32) * (1.0 / np.sqrt(D))
    b2 = jnp.zeros((D,), dtype=jnp.float32)
    W3 = jax.random.normal(ks[5], (D, 1), dtype=jnp.float32) * (1.0 / np.sqrt(D))
    b3 = jnp.zeros((1,), dtype=jnp.float32)
    return {"nodes": nodes, "to_neighs": to_neighs, "u2e": u2e,
            "W1": W1, "b1": b1, "W2": W2, "b2": b2, "W3": W3, "b3": b3}


def reference(nodes, to_neighs, u2e, W1, b1, W2, b2, W3, b3):
    # e_u = self.u2e(neighbors)  -> gather neighbor embeddings  [N, K, D]
    e_u = jnp.take(u2e, to_neighs, axis=0)
    # u_rep = self.u2e(nodes[i]) -> gather center-node embedding [N, D]
    u_rep = jnp.take(u2e, nodes, axis=0)
    # Attention: concat(e_u, u_rep.repeat(K)) -> MLP -> softmax over neighbors
    u_rep_b = jnp.broadcast_to(u_rep[:, None, :], e_u.shape)
    x = jnp.concatenate([e_u, u_rep_b], axis=-1)          # [N, K, 2D]
    h = jax.nn.relu(x @ W1 + b1)                           # [N, K, D]
    h = jax.nn.relu(h @ W2 + b2)                           # [N, K, D]
    scores = h @ W3 + b3                                   # [N, K, 1]
    att_w = jax.nn.softmax(scores, axis=1)                 # softmax over neighbor dim
    # att_history = (e_u^T @ att_w)^T  -> attention-weighted sum of neighbor embeddings
    to_feats = jnp.sum(att_w * e_u, axis=1)                # [N, D]
    return to_feats

if __name__ == "__main__":
    import jax
    _d = setup_inputs()
    print(jax.jit(kernel)(*tuple(_d.values())))

</pallas_src>

<mosaic_0001>
#map = affine_map<(d0, d1) -> (0, 0)>
#map1 = affine_map<(d0, d1) -> (0, 0, 0)>
module attributes {stable_mosaic.version = 14 : i64} {
  func.func @_sc_gather_body(%arg0: i32, %arg1: i32, %arg2: memref<100000x128xf32, #tpu.memory_space<hbm>>, %arg3: memref<32x125x80xi32, #tpu.memory_space<hbm>>, %arg4: memref<32x4x80xi32, #tpu.memory_space<hbm>>, %arg5: memref<320000x128xf32, #tpu.memory_space<hbm>>, %arg6: memref<10240x128xf32, #tpu.memory_space<hbm>>, %arg7: memref<125x80xi32, #tpu.memory_space<vmem>>, %arg8: memref<4x80xi32, #tpu.memory_space<vmem>>, %arg9: memref<400x128xf32, #tpu.memory_space<vmem>>, %arg10: memref<400x128xf32, #tpu.memory_space<vmem>>, %arg11: memref<80x128xf32, #tpu.memory_space<vmem>>, %arg12: memref<!tpu.dma_semaphore, #tpu.memory_space<semaphore_mem>>, %arg13: memref<!tpu.dma_semaphore, #tpu.memory_space<semaphore_mem>>, %arg14: memref<!tpu.dma_semaphore, #tpu.memory_space<semaphore_mem>>) attributes {dimension_semantics = [#tpu.dimension_semantics<core_parallel>, #tpu.dimension_semantics<subcore_parallel>], iteration_bounds = array<i64: 2, 16>, scalar_prefetch = 0 : i64, scratch_operands = 8 : i64, tpu.core_type = #tpu.core_type<sc_vector_subcore>, window_params = [{transform_indices = #map}, {transform_indices = #map1}, {transform_indices = #map1}, {transform_indices = #map}, {transform_indices = #map}]} {
    %mul3A = arith.constant 2 : i32
    %mul3A_0 = arith.muli %arg1, %mul3A : i32
    %add3A = arith.addi %mul3A_0, %arg0 : i32
    %mul3A_1 = arith.constant 10000 : i32
    %mul3A_2 = arith.muli %add3A, %mul3A_1 : i32
    %mul3A_3 = arith.constant 320 : i32
    %mul3A_4 = arith.muli %add3A, %mul3A_3 : i32
    "tpu.region"() ({
      %run_scoped3A = tpu.sem_alloc : memref<!tpu.dma_semaphore, #tpu.memory_space<semaphore_mem>>
      %dma_start3A_166 = arith.constant 0 : i32
      %dma_start3A_167 = arith.constant 0 : i32
      %dma_start3A_168 = tpu.memref_slice %arg3[%add3A, %dma_start3A_166, %dma_start3A_167] : memref<32x125x80xi32, #tpu.memory_space<hbm>> -> memref<1x125x80xi32, #tpu.memory_space<hbm>>
      %dma_start3A_169 = tpu.memref_squeeze %dma_start3A_168 : memref<1x125x80xi32, #tpu.memory_space<hbm>> -> memref<125x80xi32, #tpu.memory_space<hbm>>
      %dma_start3A_170 = arith.constant 0 : i32
      %dma_start3A_171 = arith.constant 0 : i32
      %dma_start3A_172 = tpu.memref_slice %arg3[%add3A, %dma_start3A_170, %dma_start3A_171] : memref<32x125x80xi32, #tpu.memory_space<hbm>> -> memref<1x125x80xi32, #tpu.memory_space<hbm>>
      %dma_start3A_173 = tpu.memref_squeeze %dma_start3A_172 : memref<1x125x80xi32, #tpu.memory_space<hbm>> -> memref<125x80xi32, #tpu.memory_space<hbm>>
      tpu.enqueue_dma source(%dma_start3A_173 : memref<125x80xi32, #tpu.memory_space<hbm>>) target(%arg7 : memref<125x80xi32, #tpu.memory_space<vmem>>) target_semaphore(%run_scoped3A : memref<!tpu.dma_semaphore, #tpu.memory_space<semaphore_mem>>)
      %dma_wait3A_174 = arith.constant 0 : i32
      %dma_wait3A_175 = arith.constant 0 : i32
      %dma_wait3A_176 = tpu.memref_slice %arg3[%add3A, %dma_wait3A_174, %dma_wait3A_175] : memref<32x125x80xi32, #tpu.memory_space<hbm>> -> memref<1x125x80xi32, #tpu.memory_space<hbm>>
      %dma_wait3A_177 = tpu.memref_squeeze %dma_wait3A_176 : memref<1x125x80xi32, #tpu.memory_space<hbm>> -> memref<125x80xi32, #tpu.memory_space<hbm>>
      %dma_wait3A_178 = arith.constant 0 : i32
      %dma_wait3A_179 = arith.constant 0 : i32
      %dma_wait3A_180 = tpu.memref_slice %arg3[%add3A, %dma_wait3A_178, %dma_wait3A_179] : memref<32x125x80xi32, #tpu.memory_space<hbm>> -> memref<1x125x80xi32, #tpu.memory_space<hbm>>
      %dma_wait3A_181 = tpu.memref_squeeze %dma_wait3A_180 : memref<1x125x80xi32, #tpu.memory_space<hbm>> -> memref<125x80xi32, #tpu.memory_space<hbm>>
      tpu.wait_dma2 semaphore(%run_scoped3A : memref<!tpu.dma_semaphore, #tpu.memory_space<semaphore_mem>>) src(%dma_wait3A_181 : memref<125x80xi32, #tpu.memory_space<hbm>>) dst(%arg7 : memref<125x80xi32, #tpu.memory_space<vmem>>)
      tpu.yield
    }) : () -> ()
    "tpu.region"() ({
      %run_scoped3A = tpu.sem_alloc : memref<!tpu.dma_semaphore, #tpu.memory_space<semaphore_mem>>
      %dma_start3A_166 = arith.constant 0 : i32
      %dma_start3A_167 = arith.constant 0 : i32
      %dma_start3A_168 = tpu.memref_slice %arg4[%add3A, %dma_start3A_166, %dma_start3A_167] : memref<32x4x80xi32, #tpu.memory_space<hbm>> -> memref<1x4x80xi32, #tpu.memory_space<hbm>>
      %dma_start3A_169 = tpu.memref_squeeze %dma_start3A_168 : memref<1x4x80xi32, #tpu.memory_space<hbm>> -> memref<4x80xi32, #tpu.memory_space<hbm>>
      %dma_start3A_170 = arith.constant 0 : i32
      %dma_start3A_171 = arith.constant 0 : i32
      %dma_start3A_172 = tpu.memref_slice %arg4[%add3A, %dma_start3A_170, %dma_start3A_171] : memref<32x4x80xi32, #tpu.memory_space<hbm>> -> memref<1x4x80xi32, #tpu.memory_space<hbm>>
      %dma_start3A_173 = tpu.memref_squeeze %dma_start3A_172 : memref<1x4x80xi32, #tpu.memory_space<hbm>> -> memref<4x80xi32, #tpu.memory_space<hbm>>
      tpu.enqueue_dma source(%dma_start3A_173 : memref<4x80xi32, #tpu.memory_space<hbm>>) target(%arg8 : memref<4x80xi32, #tpu.memory_space<vmem>>) target_semaphore(%run_scoped3A : memref<!tpu.dma_semaphore, #tpu.memory_space<semaphore_mem>>)
      %dma_wait3A_174 = arith.constant 0 : i32
      %dma_wait3A_175 = arith.constant 0 : i32
      %dma_wait3A_176 = tpu.memref_slice %arg4[%add3A, %dma_wait3A_174, %dma_wait3A_175] : memref<32x4x80xi32, #tpu.memory_space<hbm>> -> memref<1x4x80xi32, #tpu.memory_space<hbm>>
      %dma_wait3A_177 = tpu.memref_squeeze %dma_wait3A_176 : memref<1x4x80xi32, #tpu.memory_space<hbm>> -> memref<4x80xi32, #tpu.memory_space<hbm>>
      %dma_wait3A_178 = arith.constant 0 : i32
      %dma_wait3A_179 = arith.constant 0 : i32
      %dma_wait3A_180 = tpu.memref_slice %arg4[%add3A, %dma_wait3A_178, %dma_wait3A_179] : memref<32x4x80xi32, #tpu.memory_space<hbm>> -> memref<1x4x80xi32, #tpu.memory_space<hbm>>
      %dma_wait3A_181 = tpu.memref_squeeze %dma_wait3A_180 : memref<1x4x80xi32, #tpu.memory_space<hbm>> -> memref<4x80xi32, #tpu.memory_space<hbm>>
      tpu.wait_dma2 semaphore(%run_scoped3A : memref<!tpu.dma_semaphore, #tpu.memory_space<semaphore_mem>>) src(%dma_wait3A_181 : memref<4x80xi32, #tpu.memory_space<hbm>>) dst(%arg8 : memref<4x80xi32, #tpu.memory_space<vmem>>)
      tpu.yield
    }) : () -> ()
    %dma_start3A = arith.constant 0 : i32
    %dma_start3A_5 = arith.constant 0 : i32
    %dma_start3A_6 = arith.constant 0 : i32
    %dma_start3A_7 = tpu.memref_slice %arg9[%dma_start3A_5, %dma_start3A_6] : memref<400x128xf32, #tpu.memory_space<vmem>> -> memref<80x128xf32, #tpu.memory_space<vmem>>
    %dma_start3A_8 = arith.constant 0 : i32
    %dma_start3A_9 = tpu.memref_slice %arg7[%dma_start3A, %dma_start3A_8] : memref<125x80xi32, #tpu.memory_space<vmem>> -> memref<1x80xi32, #tpu.memory_space<vmem>>
    %dma_start3A_10 = tpu.memref_squeeze %dma_start3A_9 : memref<1x80xi32, #tpu.memory_space<vmem>> -> memref<80xi32, #tpu.memory_space<vmem>>
    %dma_start3A_11 = arith.constant 0 : i32
    %dma_start3A_12 = arith.constant 0 : i32
    %dma_start3A_13 = tpu.memref_slice %arg2[%dma_start3A_11, %dma_start3A_12] : memref<100000x128xf32, #tpu.memory_space<hbm>> -> memref<100000x128xf32, #tpu.memory_space<hbm>>
    tpu.enqueue_indirect_dma source(%dma_start3A_13 : memref<100000x128xf32, #tpu.memory_space<hbm>>) target(%dma_start3A_7 : memref<80x128xf32, #tpu.memory_space<vmem>>) offsets(%dma_start3A_10 : memref<80xi32, #tpu.memory_space<vmem>>) semaphore(%arg12 : memref<!tpu.dma_semaphore, #tpu.memory_space<semaphore_mem>>)
    %dma_start3A_14 = arith.constant 1 : i32
    %dma_start3A_15 = arith.constant 80 : i32
    %dma_start3A_16 = arith.constant 0 : i32
    %dma_start3A_17 = tpu.memref_slice %arg9[%dma_start3A_15, %dma_start3A_16] : memref<400x128xf32, #tpu.memory_space<vmem>> -> memref<80x128xf32, #tpu.memory_space<vmem>>
    %dma_start3A_18 = arith.constant 0 : i32
    %dma_start3A_19 = tpu.memref_slice %arg7[%dma_start3A_14, %dma_start3A_18] : memref<125x80xi32, #tpu.memory_space<vmem>> -> memref<1x80xi32, #tpu.memory_space<vmem>>
    %dma_start3A_20 = tpu.memref_squeeze %dma_start3A_19 : memref<1x80xi32, #tpu.memory_space<vmem>> -> memref<80xi32, #tpu.memory_space<vmem>>
    %dma_start3A_21 = arith.constant 0 : i32
    %dma_start3A_22 = arith.constant 0 : i32
    %dma_start3A_23 = tpu.memref_slice %arg2[%dma_start3A_21, %dma_start3A_22] : memref<100000x128xf32, #tpu.memory_space<hbm>> -> memref<100000x128xf32, #tpu.memory_space<hbm>>
    tpu.enqueue_indirect_dma source(%dma_start3A_23 : memref<100000x128xf32, #tpu.memory_space<hbm>>) target(%dma_start3A_17 : memref<80x128xf32, #tpu.memory_space<vmem>>) offsets(%dma_start3A_20 : memref<80xi32, #tpu.memory_space<vmem>>) semaphore(%arg12 : memref<!tpu.dma_semaphore, #tpu.memory_space<semaphore_mem>>)
    %dma_start3A_24 = arith.constant 2 : i32
    %dma_start3A_25 = arith.constant 160 : i32
    %dma_start3A_26 = arith.constant 0 : i32
    %dma_start3A_27 = tpu.memref_slice %arg9[%dma_start3A_25, %dma_start3A_26] : memref<400x128xf32, #tpu.memory_space<vmem>> -> memref<80x128xf32, #tpu.memory_space<vmem>>
    %dma_start3A_28 = arith.constant 0 : i32
    %dma_start3A_29 = tpu.memref_slice %arg7[%dma_start3A_24, %dma_start3A_28] : memref<125x80xi32, #tpu.memory_space<vmem>> -> memref<1x80xi32, #tpu.memory_space<vmem>>
    %dma_start3A_30 = tpu.memref_squeeze %dma_start3A_29 : memref<1x80xi32, #tpu.memory_space<vmem>> -> memref<80xi32, #tpu.memory_space<vmem>>
    %dma_start3A_31 = arith.constant 0 : i32
    %dma_start3A_32 = arith.constant 0 : i32
    %dma_start3A_33 = tpu.memref_slice %arg2[%dma_start3A_31, %dma_start3A_32] : memref<100000x128xf32, #tpu.memory_space<hbm>> -> memref<100000x128xf32, #tpu.memory_space<hbm>>
    tpu.enqueue_indirect_dma source(%dma_start3A_33 : memref<100000x128xf32, #tpu.memory_space<hbm>>) target(%dma_start3A_27 : memref<80x128xf32, #tpu.memory_space<vmem>>) offsets(%dma_start3A_30 : memref<80xi32, #tpu.memory_space<vmem>>) semaphore(%arg12 : memref<!tpu.dma_semaphore, #tpu.memory_space<semaphore_mem>>)
    %dma_start3A_34 = arith.constant 3 : i32
    %dma_start3A_35 = arith.constant 240 : i32
    %dma_start3A_36 = arith.constant 0 : i32
    %dma_start3A_37 = tpu.memref_slice %arg9[%dma_start3A_35, %dma_start3A_36] : memref<400x128xf32, #tpu.memory_space<vmem>> -> memref<80x128xf32, #tpu.memory_space<vmem>>
    %dma_start3A_38 = arith.constant 0 : i32
    %dma_start3A_39 = tpu.memref_slice %arg7[%dma_start3A_34, %dma_start3A_38] : memref<125x80xi32, #tpu.memory_space<vmem>> -> memref<1x80xi32, #tpu.memory_space<vmem>>
    %dma_start3A_40 = tpu.memref_squeeze %dma_start3A_39 : memref<1x80xi32, #tpu.memory_space<vmem>> -> memref<80xi32, #tpu.memory_space<vmem>>
    %dma_start3A_41 = arith.constant 0 : i32
    %dma_start3A_42 = arith.constant 0 : i32
    %dma_start3A_43 = tpu.memref_slice %arg2[%dma_start3A_41, %dma_start3A_42] : memref<100000x128xf32, #tpu.memory_space<hbm>> -> memref<100000x128xf32, #tpu.memory_space<hbm>>
    tpu.enqueue_indirect_dma source(%dma_start3A_43 : memref<100000x128xf32, #tpu.memory_space<hbm>>) target(%dma_start3A_37 : memref<80x128xf32, #tpu.memory_space<vmem>>) offsets(%dma_start3A_40 : memref<80xi32, #tpu.memory_space<vmem>>) semaphore(%arg12 : memref<!tpu.dma_semaphore, #tpu.memory_space<semaphore_mem>>)
    %dma_start3A_44 = arith.constant 4 : i32
    %dma_start3A_45 = arith.constant 320 : i32
    %dma_start3A_46 = arith.constant 0 : i32
    %dma_start3A_47 = tpu.memref_slice %arg9[%dma_start3A_45, %dma_start3A_46] : memref<400x128xf32, #tpu.memory_space<vmem>> -> memref<80x128xf32, #tpu.memory_space<vmem>>
    %dma_start3A_48 = arith.constant 0 : i32
    %dma_start3A_49 = tpu.memref_slice %arg7[%dma_start3A_44, %dma_start3A_48] : memref<125x80xi32, #tpu.memory_space<vmem>> -> memref<1x80xi32, #tpu.memory_space<vmem>>
    %dma_start3A_50 = tpu.memref_squeeze %dma_start3A_49 : memref<1x80xi32, #tpu.memory_space<vmem>> -> memref<80xi32, #tpu.memory_space<vmem>>
    %dma_start3A_51 = arith.constant 0 : i32
    %dma_start3A_52 = arith.constant 0 : i32
    %dma_start3A_53 = tpu.memref_slice %arg2[%dma_start3A_51, %dma_start3A_52] : memref<100000x128xf32, #tpu.memory_space<hbm>> -> memref<100000x128xf32, #tpu.memory_space<hbm>>
    tpu.enqueue_indirect_dma source(%dma_start3A_53 : memref<100000x128xf32, #tpu.memory_space<hbm>>) target(%dma_start3A_47 : memref<80x128xf32, #tpu.memory_space<vmem>>) offsets(%dma_start3A_50 : memref<80xi32, #tpu.memory_space<vmem>>) semaphore(%arg12 : memref<!tpu.dma_semaphore, #tpu.memory_space<semaphore_mem>>)
    %dma_start3A_54 = arith.constant 5 : i32
    %dma_start3A_55 = arith.constant 0 : i32
    %dma_start3A_56 = arith.constant 0 : i32
    %dma_start3A_57 = tpu.memref_slice %arg10[%dma_start3A_55, %dma_start3A_56] : memref<400x128xf32, #tpu.memory_space<vmem>> -> memref<80x128xf32, #tpu.memory_space<vmem>>
    %dma_start3A_58 = arith.constant 0 : i32
    %dma_start3A_59 = tpu.memref_slice %arg7[%dma_start3A_54, %dma_start3A_58] : memref<125x80xi32, #tpu.memory_space<vmem>> -> memref<1x80xi32, #tpu.memory_space<vmem>>
    %dma_start3A_60 = tpu.memref_squeeze %dma_start3A_59 : memref<1x80xi32, #tpu.memory_space<vmem>> -> memref<80xi32, #tpu.memory_space<vmem>>
    %dma_start3A_61 = arith.constant 0 : i32
    %dma_start3A_62 = arith.constant 0 : i32
    %dma_start3A_63 = tpu.memref_slice %arg2[%dma_start3A_61, %dma_start3A_62] : memref<100000x128xf32, #tpu.memory_space<hbm>> -> memref<100000x128xf32, #tpu.memory_space<hbm>>
    tpu.enqueue_indirect_dma source(%dma_start3A_63 : memref<100000x128xf32, #tpu.memory_space<hbm>>) target(%dma_start3A_57 : memref<80x128xf32, #tpu.memory_space<vmem>>) offsets(%dma_start3A_60 : memref<80xi32, #tpu.memory_space<vmem>>) semaphore(%arg13 : memref<!tpu.dma_semaphore, #tpu.memory_space<semaphore_mem>>)
    %dma_start3A_64 = arith.constant 6 : i32
    %dma_start3A_65 = arith.constant 80 : i32
    %dma_start3A_66 = arith.constant 0 : i32
    %dma_start3A_67 = tpu.memref_slice %arg10[%dma_start3A_65, %dma_start3A_66] : memref<400x128xf32, #tpu.memory_space<vmem>> -> memref<80x128xf32, #tpu.memory_space<vmem>>
    %dma_start3A_68 = arith.constant 0 : i32
    %dma_start3A_69 = tpu.memref_slice %arg7[%dma_start3A_64, %dma_start3A_68] : memref<125x80xi32, #tpu.memory_space<vmem>> -> memref<1x80xi32, #tpu.memory_space<vmem>>
    %dma_start3A_70 = tpu.memref_squeeze %dma_start3A_69 : memref<1x80xi32, #tpu.memory_space<vmem>> -> memref<80xi32, #tpu.memory_space<vmem>>
    %dma_start3A_71 = arith.constant 0 : i32
    %dma_start3A_72 = arith.constant 0 : i32
    %dma_start3A_73 = tpu.memref_slice %arg2[%dma_start3A_71, %dma_start3A_72] : memref<100000x128xf32, #tpu.memory_space<hbm>> -> memref<100000x128xf32, #tpu.memory_space<hbm>>
    tpu.enqueue_indirect_dma source(%dma_start3A_73 : memref<100000x128xf32, #tpu.memory_space<hbm>>) target(%dma_start3A_67 : memref<80x128xf32, #tpu.memory_space<vmem>>) offsets(%dma_start3A_70 : memref<80xi32, #tpu.memory_space<vmem>>) semaphore(%arg13 : memref<!tpu.dma_semaphore, #tpu.memory_space<semaphore_mem>>)
    %dma_start3A_74 = arith.constant 7 : i32
    %dma_start3A_75 = arith.constant 160 : i32
    %dma_start3A_76 = arith.constant 0 : i32
    %dma_start3A_77 = tpu.memref_slice %arg10[%dma_start3A_75, %dma_start3A_76] : memref<400x128xf32, #tpu.memory_space<vmem>> -> memref<80x128xf32, #tpu.memory_space<vmem>>
    %dma_start3A_78 = arith.constant 0 : i32
    %dma_start3A_79 = tpu.memref_slice %arg7[%dma_start3A_74, %dma_start3A_78] : memref<125x80xi32, #tpu.memory_space<vmem>> -> memref<1x80xi32, #tpu.memory_space<vmem>>
    %dma_start3A_80 = tpu.memref_squeeze %dma_start3A_79 : memref<1x80xi32, #tpu.memory_space<vmem>> -> memref<80xi32, #tpu.memory_space<vmem>>
    %dma_start3A_81 = arith.constant 0 : i32
    %dma_start3A_82 = arith.constant 0 : i32
    %dma_start3A_83 = tpu.memref_slice %arg2[%dma_start3A_81, %dma_start3A_82] : memref<100000x128xf32, #tpu.memory_space<hbm>> -> memref<100000x128xf32, #tpu.memory_space<hbm>>
    tpu.enqueue_indirect_dma source(%dma_start3A_83 : memref<100000x128xf32, #tpu.memory_space<hbm>>) target(%dma_start3A_77 : memref<80x128xf32, #tpu.memory_space<vmem>>) offsets(%dma_start3A_80 : memref<80xi32, #tpu.memory_space<vmem>>) semaphore(%arg13 : memref<!tpu.dma_semaphore, #tpu.memory_space<semaphore_mem>>)
    %dma_start3A_84 = arith.constant 8 : i32
    %dma_start3A_85 = arith.constant 240 : i32
    %dma_start3A_86 = arith.constant 0 : i32
    %dma_start3A_87 = tpu.memref_slice %arg10[%dma_start3A_85, %dma_start3A_86] : memref<400x128xf32, #tpu.memory_space<vmem>> -> memref<80x128xf32, #tpu.memory_space<vmem>>
    %dma_start3A_88 = arith.constant 0 : i32
    %dma_start3A_89 = tpu.memref_slice %arg7[%dma_start3A_84, %dma_start3A_88] : memref<125x80xi32, #tpu.memory_space<vmem>> -> memref<1x80xi32, #tpu.memory_space<vmem>>
    %dma_start3A_90 = tpu.memref_squeeze %dma_start3A_89 : memref<1x80xi32, #tpu.memory_space<vmem>> -> memref<80xi32, #tpu.memory_space<vmem>>
    %dma_start3A_91 = arith.constant 0 : i32
    %dma_start3A_92 = arith.constant 0 : i32
    %dma_start3A_93 = tpu.memref_slice %arg2[%dma_start3A_91, %dma_start3A_92] : memref<100000x128xf32, #tpu.memory_space<hbm>> -> memref<100000x128xf32, #tpu.memory_space<hbm>>
    tpu.enqueue_indirect_dma source(%dma_start3A_93 : memref<100000x128xf32, #tpu.memory_space<hbm>>) target(%dma_start3A_87 : memref<80x128xf32, #tpu.memory_space<vmem>>) offsets(%dma_start3A_90 : memref<80xi32, #tpu.memory_space<vmem>>) semaphore(%arg13 : memref<!tpu.dma_semaphore, #tpu.memory_space<semaphore_mem>>)
    %dma_start3A_94 = arith.constant 9 : i32
    %dma_start3A_95 = arith.constant 320 : i32
    %dma_start3A_96 = arith.constant 0 : i32
    %dma_start3A_97 = tpu.memref_slice %arg10[%dma_start3A_95, %dma_start3A_96] : memref<400x128xf32, #tpu.memory_space<vmem>> -> memref<80x128xf32, #tpu.memory_space<vmem>>
    %dma_start3A_98 = arith.constant 0 : i32
    %dma_start3A_99 = tpu.memref_slice %arg7[%dma_start3A_94, %dma_start3A_98] : memref<125x80xi32, #tpu.memory_space<vmem>> -> memref<1x80xi32, #tpu.memory_space<vmem>>
    %dma_start3A_100 = tpu.memref_squeeze %dma_start3A_99 : memref<1x80xi32, #tpu.memory_space<vmem>> -> memref<80xi32, #tpu.memory_space<vmem>>
    %dma_start3A_101 = arith.constant 0 : i32
    %dma_start3A_102 = arith.constant 0 : i32
    %dma_start3A_103 = tpu.memref_slice %arg2[%dma_start3A_101, %dma_start3A_102] : memref<100000x128xf32, #tpu.memory_space<hbm>> -> memref<100000x128xf32, #tpu.memory_space<hbm>>
    tpu.enqueue_indirect_dma source(%dma_start3A_103 : memref<100000x128xf32, #tpu.memory_space<hbm>>) target(%dma_start3A_97 : memref<80x128xf32, #tpu.memory_space<vmem>>) offsets(%dma_start3A_100 : memref<80xi32, #tpu.memory_space<vmem>>) semaphore(%arg13 : memref<!tpu.dma_semaphore, #tpu.memory_space<semaphore_mem>>)
    %scan3A = arith.constant 0 : i32
    %scan3A_104 = arith.constant 0 : i32
    %scan3A_105 = arith.constant 12 : i32
    %scan3A_106 = arith.addi %scan3A_104, %scan3A_105 : i32
    %scan3A_107 = arith.constant 1 : i32
    scf.for %scan3A_166 = %scan3A_104 to %scan3A_106 step %scan3A_107  : i32 {
      %mul3A_167 = arith.constant 2 : i32
      %mul3A_168 = arith.muli %mul3A_167, %scan3A_166 : i32
      %add3A_169 = arith.constant 0 : i32
      %add3A_170 = arith.addi %mul3A_168, %add3A_169 : i32
      %mul3A_171 = arith.constant 5 : i32
      %mul3A_172 = arith.muli %add3A_170, %mul3A_171 : i32
      %add3A_173 = arith.constant 0 : i32
      %add3A_174 = arith.addi %mul3A_172, %add3A_173 : i32
      %dma_wait3A_175 = arith.constant 0 : i32
      %dma_wait3A_176 = arith.constant 0 : i32
      %dma_wait3A_177 = tpu.memref_slice %arg9[%dma_wait3A_175, %dma_wait3A_176] : memref<400x128xf32, #tpu.memory_space<vmem>> -> memref<80x128xf32, #tpu.memory_space<vmem>>
      %dma_wait3A_178 = arith.constant 0 : i32
      %dma_wait3A_179 = tpu.memref_slice %arg7[%add3A_174, %dma_wait3A_178] : memref<125x80xi32, #tpu.memory_space<vmem>> -> memref<1x80xi32, #tpu.memory_space<vmem>>
      %dma_wait3A_180 = tpu.memref_squeeze %dma_wait3A_179 : memref<1x80xi32, #tpu.memory_space<vmem>> -> memref<80xi32, #tpu.memory_space<vmem>>
      %dma_wait3A_181 = arith.constant 0 : i32
      %dma_wait3A_182 = arith.constant 0 : i32
      %dma_wait3A_183 = tpu.memref_slice %arg2[%dma_wait3A_181, %dma_wait3A_182] : memref<100000x128xf32, #tpu.memory_space<hbm>> -> memref<100000x128xf32, #tpu.memory_space<hbm>>
      tpu.wait_indirect_dma semaphore(%arg12 : memref<!tpu.dma_semaphore, #tpu.memory_space<semaphore_mem>>) src(%dma_wait3A_183 : memref<100000x128xf32, #tpu.memory_space<hbm>>) dst(%dma_wait3A_177 : memref<80x128xf32, #tpu.memory_space<vmem>>)
      %mul3A_184 = arith.constant 5 : i32
      %mul3A_185 = arith.muli %add3A_170, %mul3A_184 : i32
      %add3A_186 = arith.constant 1 : i32
      %add3A_187 = arith.addi %mul3A_185, %add3A_186 : i32
      %dma_wait3A_188 = arith.constant 80 : i32
      %dma_wait3A_189 = arith.constant 0 : i32
      %dma_wait3A_190 = tpu.memref_slice %arg9[%dma_wait3A_188, %dma_wait3A_189] : memref<400x128xf32, #tpu.memory_space<vmem>> -> memref<80x128xf32, #tpu.memory_space<vmem>>
      %dma_wait3A_191 = arith.constant 0 : i32
      %dma_wait3A_192 = tpu.memref_slice %arg7[%add3A_187, %dma_wait3A_191] : memref<125x80xi32, #tpu.memory_space<vmem>> -> memref<1x80xi32, #tpu.memory_space<vmem>>
      %dma_wait3A_193 = tpu.memref_squeeze %dma_wait3A_192 : memref<1x80xi32, #tpu.memory_space<vmem>> -> memref<80xi32, #tpu.memory_space<vmem>>
      %dma_wait3A_194 = arith.constant 0 : i32
      %dma_wait3A_195 = arith.constant 0 : i32
      %dma_wait3A_196 = tpu.memref_slice %arg2[%dma_wait3A_194, %dma_wait3A_195] : memref<100000x128xf32, #tpu.memory_space<hbm>> -> memref<100000x128xf32, #tpu.memory_space<hbm>>
      tpu.wait_indirect_dma semaphore(%arg12 : memref<!tpu.dma_semaphore, #tpu.memory_space<semaphore_mem>>) src(%dma_wait3A_196 : memref<100000x128xf32, #tpu.memory_space<hbm>>) dst(%dma_wait3A_190 : memref<80x128xf32, #tpu.memory_space<vmem>>)
      %mul3A_197 = arith.constant 5 : i32
      %mul3A_198 = arith.muli %add3A_170, %mul3A_197 : i32
      %add3A_199 = arith.constant 2 : i32
      %add3A_200 = arith.addi %mul3A_198, %add3A_199 : i32
      %dma_wait3A_201 = arith.constant 160 : i32
      %dma_wait3A_202 = arith.constant 0 : i32
      %dma_wait3A_203 = tpu.memref_slice %arg9[%dma_wait3A_201, %dma_wait3A_202] : memref<400x128xf32, #tpu.memory_space<vmem>> -> memref<80x128xf32, #tpu.memory_space<vmem>>
      %dma_wait3A_204 = arith.constant 0 : i32
      %dma_wait3A_205 = tpu.memref_slice %arg7[%add3A_200, %dma_wait3A_204] : memref<125x80xi32, #tpu.memory_space<vmem>> -> memref<1x80xi32, #tpu.memory_space<vmem>>
      %dma_wait3A_206 = tpu.memref_squeeze %dma_wait3A_205 : memref<1x80xi32, #tpu.memory_space<vmem>> -> memref<80xi32, #tpu.memory_space<vmem>>
      %dma_wait3A_207 = arith.constant 0 : i32
      %dma_wait3A_208 = arith.constant 0 : i32
      %dma_wait3A_209 = tpu.memref_slice %arg2[%dma_wait3A_207, %dma_wait3A_208] : memref<100000x128xf32, #tpu.memory_space<hbm>> -> memref<100000x128xf32, #tpu.memory_space<hbm>>
      tpu.wait_indirect_dma semaphore(%arg12 : memref<!tpu.dma_semaphore, #tpu.memory_space<semaphore_mem>>) src(%dma_wait3A_209 : memref<100000x128xf32, #tpu.memory_space<hbm>>) dst(%dma_wait3A_203 : memref<80x128xf32, #tpu.memory_space<vmem>>)
      %mul3A_210 = arith.constant 5 : i32
      %mul3A_211 = arith.muli %add3A_170, %mul3A_210 : i32
      %add3A_212 = arith.constant 3 : i32
      %add3A_213 = arith.addi %mul3A_211, %add3A_212 : i32
      %dma_wait3A_214 = arith.constant 240 : i32
      %dma_wait3A_215 = arith.constant 0 : i32
      %dma_wait3A_216 = tpu.memref_slice %arg9[%dma_wait3A_214, %dma_wait3A_215] : memref<400x128xf32, #tpu.memory_space<vmem>> -> memref<80x128xf32, #tpu.memory_space<vmem>>
      %dma_wait3A_217 = arith.constant 0 : i32
      %dma_wait3A_218 = tpu.memref_slice %arg7[%add3A_213, %dma_wait3A_217] : memref<125x80xi32, #tpu.memory_space<vmem>> -> memref<1x80xi32, #tpu.memory_space<vmem>>
      %dma_wait3A_219 = tpu.memref_squeeze %dma_wait3A_218 : memref<1x80xi32, #tpu.memory_space<vmem>> -> memref<80xi32, #tpu.memory_space<vmem>>
      %dma_wait3A_220 = arith.constant 0 : i32
      %dma_wait3A_221 = arith.constant 0 : i32
      %dma_wait3A_222 = tpu.memref_slice %arg2[%dma_wait3A_220, %dma_wait3A_221] : memref<100000x128xf32, #tpu.memory_space<hbm>> -> memref<100000x128xf32, #tpu.memory_space<hbm>>
      tpu.wait_indirect_dma semaphore(%arg12 : memref<!tpu.dma_semaphore, #tpu.memory_space<semaphore_mem>>) src(%dma_wait3A_222 : memref<100000x128xf32, #tpu.memory_space<hbm>>) dst(%dma_wait3A_216 : memref<80x128xf32, #tpu.memory_space<vmem>>)
      %mul3A_223 = arith.constant 5 : i32
      %mul3A_224 = arith.muli %add3A_170, %mul3A_223 : i32
      %add3A_225 = arith.constant 4 : i32
      %add3A_226 = arith.addi %mul3A_224, %add3A_225 : i32
      %dma_wait3A_227 = arith.constant 320 : i32
      %dma_wait3A_228 = arith.constant 0 : i32
      %dma_wait3A_229 = tpu.memref_slice %arg9[%dma_wait3A_227, %dma_wait3A_228] : memref<400x128xf32, #tpu.memory_space<vmem>> -> memref<80x128xf32, #tpu.memory_space<vmem>>
      %dma_wait3A_230 = arith.constant 0 : i32
      %dma_wait3A_231 = tpu.memref_slice %arg7[%add3A_226, %dma_wait3A_230] : memref<125x80xi32, #tpu.memory_space<vmem>> -> memref<1x80xi32, #tpu.memory_space<vmem>>
      %dma_wait3A_232 = tpu.memref_squeeze %dma_wait3A_231 : memref<1x80xi32, #tpu.memory_space<vmem>> -> memref<80xi32, #tpu.memory_space<vmem>>
      %dma_wait3A_233 = arith.constant 0 : i32
      %dma_wait3A_234 = arith.constant 0 : i32
      %dma_wait3A_235 = tpu.memref_slice %arg2[%dma_wait3A_233, %dma_wait3A_234] : memref<100000x128xf32, #tpu.memory_space<hbm>> -> memref<100000x128xf32, #tpu.memory_space<hbm>>
      tpu.wait_indirect_dma semaphore(%arg12 : memref<!tpu.dma_semaphore, #tpu.memory_space<semaphore_mem>>) src(%dma_wait3A_235 : memref<100000x128xf32, #tpu.memory_space<hbm>>) dst(%dma_wait3A_229 : memref<80x128xf32, #tpu.memory_space<vmem>>)
      %add3A_236 = arith.constant 2 : i32
      %add3A_237 = arith.addi %add3A_170, %add3A_236 : i32
      %mul3A_238 = arith.constant 400 : i32
      %mul3A_239 = arith.muli %add3A_170, %mul3A_238 : i32
      %add3A_240 = arith.addi %mul3A_2, %mul3A_239 : i32
      "tpu.region"() ({
        %run_scoped3A = tpu.sem_alloc : memref<!tpu.dma_semaphore, #tpu.memory_space<semaphore_mem>>
        %dma_start3A_322 = arith.constant 0 : i32
        %dma_start3A_323 = tpu.memref_slice %arg5[%add3A_240, %dma_start3A_322] : memref<320000x128xf32, #tpu.memory_space<hbm>> -> memref<400x128xf32, #tpu.memory_space<hbm>>
        %dma_start3A_324 = arith.constant 0 : i32
        %dma_start3A_325 = tpu.memref_slice %arg5[%add3A_240, %dma_start3A_324] : memref<320000x128xf32, #tpu.memory_space<hbm>> -> memref<400x128xf32, #tpu.memory_space<hbm>>
        tpu.enqueue_dma source(%arg9 : memref<400x128xf32, #tpu.memory_space<vmem>>) target(%dma_start3A_325 : memref<400x128xf32, #tpu.memory_space<hbm>>) target_semaphore(%run_scoped3A : memref<!tpu.dma_semaphore, #tpu.memory_space<semaphore_mem>>)
        %dma_wait3A_326 = arith.constant 0 : i32
        %dma_wait3A_327 = tpu.memref_slice %arg5[%add3A_240, %dma_wait3A_326] : memref<320000x128xf32, #tpu.memory_space<hbm>> -> memref<400x128xf32, #tpu.memory_space<hbm>>
        %dma_wait3A_328 = arith.constant 0 : i32
        %dma_wait3A_329 = tpu.memref_slice %arg5[%add3A_240, %dma_wait3A_328] : memref<320000x128xf32, #tpu.memory_space<hbm>> -> memref<400x128xf32, #tpu.memory_space<hbm>>
        tpu.wait_dma2 semaphore(%run_scoped3A : memref<!tpu.dma_semaphore, #tpu.memory_space<semaphore_mem>>) src(%arg9 : memref<400x128xf32, #tpu.memory_space<vmem>>) dst(%dma_wait3A_329 : memref<400x128xf32, #tpu.memory_space<hbm>>)
        tpu.yield
      }) : () -> ()
      %lt3A = arith.constant 25 : i32
      %lt3A_241 = arith.cmpi slt, %add3A_237, %lt3A : i32
      %convert_element_type3A = arith.extui %lt3A_241 : i1 to i32
      %cond3A = arith.constant 0 : i32
      %cond3A_242 = arith.cmpi ne, %convert_element_type3A, %cond3A : i32
      scf.if %cond3A_242 {
        %mul3A_322 = arith.constant 5 : i32
        %mul3A_323 = arith.muli %add3A_237, %mul3A_322 : i32
        %add3A_324 = arith.constant 0 : i32
        %add3A_325 = arith.addi %mul3A_323, %add3A_324 : i32
        %dma_start3A_326 = arith.constant 0 : i32
        %dma_start3A_327 = arith.constant 0 : i32
        %dma_start3A_328 = tpu.memref_slice %arg9[%dma_start3A_326, %dma_start3A_327] : memref<400x128xf32, #tpu.memory_space<vmem>> -> memref<80x128xf32, #tpu.memory_space<vmem>>
        %dma_start3A_329 = arith.constant 0 : i32
        %dma_start3A_330 = tpu.memref_slice %arg7[%add3A_325, %dma_start3A_329] : memref<125x80xi32, #tpu.memory_space<vmem>> -> memref<1x80xi32, #tpu.memory_space<vmem>>
        %dma_start3A_331 = tpu.memref_squeeze %dma_start3A_330 : memref<1x80xi32, #tpu.memory_space<vmem>> -> memref<80xi32, #tpu.memory_space<vmem>>
        %dma_start3A_332 = arith.constant 0 : i32
        %dma_start3A_333 = arith.constant 0 : i32
        %dma_start3A_334 = tpu.memref_slice %arg2[%dma_start3A_332, %dma_start3A_333] : memref<100000x128xf32, #tpu.memory_space<hbm>> -> memref<100000x128xf32, #tpu.memory_space<hbm>>
        tpu.enqueue_indirect_dma source(%dma_start3A_334 : memref<100000x128xf32, #tpu.memory_space<hbm>>) target(%dma_start3A_328 : memref<80x128xf32, #tpu.memory_space<vmem>>) offsets(%dma_start3A_331 : memref<80xi32, #tpu.memory_space<vmem>>) semaphore(%arg12 : memref<!tpu.dma_semaphore, #tpu.memory_space<semaphore_mem>>)
        %mul3A_335 = arith.constant 5 : i32
        %mul3A_336 = arith.muli %add3A_237, %mul3A_335 : i32
        %add3A_337 = arith.constant 1 : i32
        %add3A_338 = arith.addi %mul3A_336, %add3A_337 : i32
        %dma_start3A_339 = arith.constant 80 : i32
        %dma_start3A_340 = arith.constant 0 : i32
        %dma_start3A_341 = tpu.memref_slice %arg9[%dma_start3A_339, %dma_start3A_340] : memref<400x128xf32, #tpu.memory_space<vmem>> -> memref<80x128xf32, #tpu.memory_space<vmem>>
        %dma_start3A_342 = arith.constant 0 : i32
        %dma_start3A_343 = tpu.memref_slice %arg7[%add3A_338, %dma_start3A_342] : memref<125x80xi32, #tpu.memory_space<vmem>> -> memref<1x80xi32, #tpu.memory_space<vmem>>
        %dma_start3A_344 = tpu.memref_squeeze %dma_start3A_343 : memref<1x80xi32, #tpu.memory_space<vmem>> -> memref<80xi32, #tpu.memory_space<vmem>>
        %dma_start3A_345 = arith.constant 0 : i32
        %dma_start3A_346 = arith.constant 0 : i32
        %dma_start3A_347 = tpu.memref_slice %arg2[%dma_start3A_345, %dma_start3A_346] : memref<100000x128xf32, #tpu.memory_space<hbm>> -> memref<100000x128xf32, #tpu.memory_space<hbm>>
        tpu.enqueue_indirect_dma source(%dma_start3A_347 : memref<100000x128xf32, #tpu.memory_space<hbm>>) target(%dma_start3A_341 : memref<80x128xf32, #tpu.memory_space<vmem>>) offsets(%dma_start3A_344 : memref<80xi32, #tpu.memory_space<vmem>>) semaphore(%arg12 : memref<!tpu.dma_semaphore, #tpu.memory_space<semaphore_mem>>)
        %mul3A_348 = arith.constant 5 : i32
        %mul3A_349 = arith.muli %add3A_237, %mul3A_348 : i32
        %add3A_350 = arith.constant 2 : i32
        %add3A_351 = arith.addi %mul3A_349, %add3A_350 : i32
        %dma_start3A_352 = arith.constant 160 : i32
        %dma_start3A_353 = arith.constant 0 : i32
        %dma_start3A_354 = tpu.memref_slice %arg9[%dma_start3A_352, %dma_start3A_353] : memref<400x128xf32, #tpu.memory_space<vmem>> -> memref<80x128xf32, #tpu.memory_space<vmem>>
        %dma_start3A_355 = arith.constant 0 : i32
        %dma_start3A_356 = tpu.memref_slice %arg7[%add3A_351, %dma_start3A_355] : memref<125x80xi32, #tpu.memory_space<vmem>> -> memref<1x80xi32, #tpu.memory_space<vmem>>
        %dma_start3A_357 = tpu.memref_squeeze %dma_start3A_356 : memref<1x80xi32, #tpu.memory_space<vmem>> -> memref<80xi32, #tpu.memory_space<vmem>>
        %dma_start3A_358 = arith.constant 0 : i32
        %dma_start3A_359 = arith.constant 0 : i32
        %dma_start3A_360 = tpu.memref_slice %arg2[%dma_start3A_358, %dma_start3A_359] : memref<100000x128xf32, #tpu.memory_space<hbm>> -> memref<100000x128xf32, #tpu.memory_space<hbm>>
        tpu.enqueue_indirect_dma source(%dma_start3A_360 : memref<100000x128xf32, #tpu.memory_space<hbm>>) target(%dma_start3A_354 : memref<80x128xf32, #tpu.memory_space<vmem>>) offsets(%dma_start3A_357 : memref<80xi32, #tpu.memory_space<vmem>>) semaphore(%arg12 : memref<!tpu.dma_semaphore, #tpu.memory_space<semaphore_mem>>)
        %mul3A_361 = arith.constant 5 : i32
        %mul3A_362 = arith.muli %add3A_237, %mul3A_361 : i32
        %add3A_363 = arith.constant 3 : i32
        %add3A_364 = arith.addi %mul3A_362, %add3A_363 : i32
        %dma_start3A_365 = arith.constant 240 : i32
        %dma_start3A_366 = arith.constant 0 : i32
        %dma_start3A_367 = tpu.memref_slice %arg9[%dma_start3A_365, %dma_start3A_366] : memref<400x128xf32, #tpu.memory_space<vmem>> -> memref<80x128xf32, #tpu.memory_space<vmem>>
        %dma_start3A_368 = arith.constant 0 : i32
        %dma_start3A_369 = tpu.memref_slice %arg7[%add3A_364, %dma_start3A_368] : memref<125x80xi32, #tpu.memory_space<vmem>> -> memref<1x80xi32, #tpu.memory_space<vmem>>
        %dma_start3A_370 = tpu.memref_squeeze %dma_start3A_369 : memref<1x80xi32, #tpu.memory_space<vmem>> -> memref<80xi32, #tpu.memory_space<vmem>>
        %dma_start3A_371 = arith.constant 0 : i32
        %dma_start3A_372 = arith.constant 0 : i32
        %dma_start3A_373 = tpu.memref_slice %arg2[%dma_start3A_371, %dma_start3A_372] : memref<100000x128xf32, #tpu.memory_space<hbm>> -> memref<100000x128xf32, #tpu.memory_space<hbm>>
        tpu.enqueue_indirect_dma source(%dma_start3A_373 : memref<100000x128xf32, #tpu.memory_space<hbm>>) target(%dma_start3A_367 : memref<80x128xf32, #tpu.memory_space<vmem>>) offsets(%dma_start3A_370 : memref<80xi32, #tpu.memory_space<vmem>>) semaphore(%arg12 : memref<!tpu.dma_semaphore, #tpu.memory_space<semaphore_mem>>)
        %mul3A_374 = arith.constant 5 : i32
        %mul3A_375 = arith.muli %add3A_237, %mul3A_374 : i32
        %add3A_376 = arith.constant 4 : i32
        %add3A_377 = arith.addi %mul3A_375, %add3A_376 : i32
        %dma_start3A_378 = arith.constant 320 : i32
        %dma_start3A_379 = arith.constant 0 : i32
        %dma_start3A_380 = tpu.memref_slice %arg9[%dma_start3A_378, %dma_start3A_379] : memref<400x128xf32, #tpu.memory_space<vmem>> -> memref<80x128xf32, #tpu.memory_space<vmem>>
        %dma_start3A_381 = arith.constant 0 : i32
        %dma_start3A_382 = tpu.memref_slice %arg7[%add3A_377, %dma_start3A_381] : memref<125x80xi32, #tpu.memory_space<vmem>> -> memref<1x80xi32, #tpu.memory_space<vmem>>
        %dma_start3A_383 = tpu.memref_squeeze %dma_start3A_382 : memref<1x80xi32, #tpu.memory_space<vmem>> -> memref<80xi32, #tpu.memory_space<vmem>>
        %dma_start3A_384 = arith.constant 0 : i32
        %dma_start3A_385 = arith.constant 0 : i32
        %dma_start3A_386 = tpu.memref_slice %arg2[%dma_start3A_384, %dma_start3A_385] : memref<100000x128xf32, #tpu.memory_space<hbm>> -> memref<100000x128xf32, #tpu.memory_space<hbm>>
        tpu.enqueue_indirect_dma source(%dma_start3A_386 : memref<100000x128xf32, #tpu.memory_space<hbm>>) target(%dma_start3A_380 : memref<80x128xf32, #tpu.memory_space<vmem>>) offsets(%dma_start3A_383 : memref<80xi32, #tpu.memory_space<vmem>>) semaphore(%arg12 : memref<!tpu.dma_semaphore, #tpu.memory_space<semaphore_mem>>)
      } else {
      }
      %mul3A_243 = arith.constant 2 : i32
      %mul3A_244 = arith.muli %mul3A_243, %scan3A_166 : i32
      %add3A_245 = arith.constant 1 : i32
      %add3A_246 = arith.addi %mul3A_244, %add3A_245 : i32
      %mul3A_247 = arith.constant 5 : i32
      %mul3A_248 = arith.muli %add3A_246, %mul3A_247 : i32
      %add3A_249 = arith.constant 0 : i32
      %add3A_250 = arith.addi %mul3A_248, %add3A_249 : i32
      %dma_wait3A_251 = arith.constant 0 : i32
      %dma_wait3A_252 = arith.constant 0 : i32
      %dma_wait3A_253 = tpu.memref_slice %arg10[%dma_wait3A_251, %dma_wait3A_252] : memref<400x128xf32, #tpu.memory_space<vmem>> -> memref<80x128xf32, #tpu.memory_space<vmem>>
      %dma_wait3A_254 = arith.constant 0 : i32
      %dma_wait3A_255 = tpu.memref_slice %arg7[%add3A_250, %dma_wait3A_254] : memref<125x80xi32, #tpu.memory_space<vmem>> -> memref<1x80xi32, #tpu.memory_space<vmem>>
      %dma_wait3A_256 = tpu.memref_squeeze %dma_wait3A_255 : memref<1x80xi32, #tpu.memory_space<vmem>> -> memref<80xi32, #tpu.memory_space<vmem>>
      %dma_wait3A_257 = arith.constant 0 : i32
      %dma_wait3A_258 = arith.constant 0 : i32
      %dma_wait3A_259 = tpu.memref_slice %arg2[%dma_wait3A_257, %dma_wait3A_258] : memref<100000x128xf32, #tpu.memory_space<hbm>> -> memref<100000x128xf32, #tpu.memory_space<hbm>>
      tpu.wait_indirect_dma semaphore(%arg13 : memref<!tpu.dma_semaphore, #tpu.memory_space<semaphore_mem>>) src(%dma_wait3A_259 : memref<100000x128xf32, #tpu.memory_space<hbm>>) dst(%dma_wait3A_253 : memref<80x128xf32, #tpu.memory_space<vmem>>)
      %mul3A_260 = arith.constant 5 : i32
      %mul3A_261 = arith.muli %add3A_246, %mul3A_260 : i32
      %add3A_262 = arith.constant 1 : i32
      %add3A_263 = arith.addi %mul3A_261, %add3A_262 : i32
      %dma_wait3A_264 = arith.constant 80 : i32
      %dma_wait3A_265 = arith.constant 0 : i32
      %dma_wait3A_266 = tpu.memref_slice %arg10[%dma_wait3A_264, %dma_wait3A_265] : memref<400x128xf32, #tpu.memory_space<vmem>> -> memref<80x128xf32, #tpu.memory_space<vmem>>
      %dma_wait3A_267 = arith.constant 0 : i32
      %dma_wait3A_268 = tpu.memref_slice %arg7[%add3A_263, %dma_wait3A_267] : memref<125x80xi32, #tpu.memory_space<vmem>> -> memref<1x80xi32, #tpu.memory_space<vmem>>
      %dma_wait3A_269 = tpu.memref_squeeze %dma_wait3A_268 : memref<1x80xi32, #tpu.memory_space<vmem>> -> memref<80xi32, #tpu.memory_space<vmem>>
      %dma_wait3A_270 = arith.constant 0 : i32
      %dma_wait3A_271 = arith.constant 0 : i32
      %dma_wait3A_272 = tpu.memref_slice %arg2[%dma_wait3A_270, %dma_wait3A_271] : memref<100000x128xf32, #tpu.memory_space<hbm>> -> memref<100000x128xf32, #tpu.memory_space<hbm>>
      tpu.wait_indirect_dma semaphore(%arg13 : memref<!tpu.dma_semaphore, #tpu.memory_space<semaphore_mem>>) src(%dma_wait3A_272 : memref<100000x128xf32, #tpu.memory_space<hbm>>) dst(%dma_wait3A_266 : memref<80x128xf32, #tpu.memory_space<vmem>>)
      %mul3A_273 = arith.constant 5 : i32
      %mul3A_274 = arith.muli %add3A_246, %mul3A_273 : i32
      %add3A_275 = arith.constant 2 : i32
      %add3A_276 = arith.addi %mul3A_274, %add3A_275 : i32
      %dma_wait3A_277 = arith.constant 160 : i32
      %dma_wait3A_278 = arith.constant 0 : i32
      %dma_wait3A_279 = tpu.memref_slice %arg10[%dma_wait3A_277, %dma_wait3A_278] : memref<400x128xf32, #tpu.memory_space<vmem>> -> memref<80x128xf32, #tpu.memory_space<vmem>>
      %dma_wait3A_280 = arith.constant 0 : i32
      %dma_wait3A_281 = tpu.memref_slice %arg7[%add3A_276, %dma_wait3A_280] : memref<125x80xi32, #tpu.memory_space<vmem>> -> memref<1x80xi32, #tpu.memory_space<vmem>>
      %dma_wait3A_282 = tpu.memref_squeeze %dma_wait3A_281 : memref<1x80xi32, #tpu.memory_space<vmem>> -> memref<80xi32, #tpu.memory_space<vmem>>
      %dma_wait3A_283 = arith.constant 0 : i32
      %dma_wait3A_284 = arith.constant 0 : i32
      %dma_wait3A_285 = tpu.memref_slice %arg2[%dma_wait3A_283, %dma_wait3A_284] : memref<100000x128xf32, #tpu.memory_space<hbm>> -> memref<100000x128xf32, #tpu.memory_space<hbm>>
      tpu.wait_indirect_dma semaphore(%arg13 : memref<!tpu.dma_semaphore, #tpu.memory_space<semaphore_mem>>) src(%dma_wait3A_285 : memref<100000x128xf32, #tpu.memory_space<hbm>>) dst(%dma_wait3A_279 : memref<80x128xf32, #tpu.memory_space<vmem>>)
      %mul3A_286 = arith.constant 5 : i32
      %mul3A_287 = arith.muli %add3A_246, %mul3A_286 : i32
      %add3A_288 = arith.constant 3 : i32
      %add3A_289 = arith.addi %mul3A_287, %add3A_288 : i32
      %dma_wait3A_290 = arith.constant 240 : i32
      %dma_wait3A_291 = arith.constant 0 : i32
      %dma_wait3A_292 = tpu.memref_slice %arg10[%dma_wait3A_290, %dma_wait3A_291] : memref<400x128xf32, #tpu.memory_space<vmem>> -> memref<80x128xf32, #tpu.memory_space<vmem>>
      %dma_wait3A_293 = arith.constant 0 : i32
      %dma_wait3A_294 = tpu.memref_slice %arg7[%add3A_289, %dma_wait3A_293] : memref<125x80xi32, #tpu.memory_space<vmem>> -> memref<1x80xi32, #tpu.memory_space<vmem>>
      %dma_wait3A_295 = tpu.memref_squeeze %dma_wait3A_294 : memref<1x80xi32, #tpu.memory_space<vmem>> -> memref<80xi32, #tpu.memory_space<vmem>>
      %dma_wait3A_296 = arith.constant 0 : i32
      %dma_wait3A_297 = arith.constant 0 : i32
      %dma_wait3A_298 = tpu.memref_slice %arg2[%dma_wait3A_296, %dma_wait3A_297] : memref<100000x128xf32, #tpu.memory_space<hbm>> -> memref<100000x128xf32, #tpu.memory_space<hbm>>
      tpu.wait_indirect_dma semaphore(%arg13 : memref<!tpu.dma_semaphore, #tpu.memory_space<semaphore_mem>>) src(%dma_wait3A_298 : memref<100000x128xf32, #tpu.memory_space<hbm>>) dst(%dma_wait3A_292 : memref<80x128xf32, #tpu.memory_space<vmem>>)
      %mul3A_299 = arith.constant 5 : i32
      %mul3A_300 = arith.muli %add3A_246, %mul3A_299 : i32
      %add3A_301 = arith.constant 4 : i32
      %add3A_302 = arith.addi %mul3A_300, %add3A_301 : i32
      %dma_wait3A_303 = arith.constant 320 : i32
      %dma_wait3A_304 = arith.constant 0 : i32
      %dma_wait3A_305 = tpu.memref_slice %arg10[%dma_wait3A_303, %dma_wait3A_304] : memref<400x128xf32, #tpu.memory_space<vmem>> -> memref<80x128xf32, #tpu.memory_space<vmem>>
      %dma_wait3A_306 = arith.constant 0 : i32
      %dma_wait3A_307 = tpu.memref_slice %arg7[%add3A_302, %dma_wait3A_306] : memref<125x80xi32, #tpu.memory_space<vmem>> -> memref<1x80xi32, #tpu.memory_space<vmem>>
      %dma_wait3A_308 = tpu.memref_squeeze %dma_wait3A_307 : memref<1x80xi32, #tpu.memory_space<vmem>> -> memref<80xi32, #tpu.memory_space<vmem>>
      %dma_wait3A_309 = arith.constant 0 : i32
      %dma_wait3A_310 = arith.constant 0 : i32
      %dma_wait3A_311 = tpu.memref_slice %arg2[%dma_wait3A_309, %dma_wait3A_310] : memref<100000x128xf32, #tpu.memory_space<hbm>> -> memref<100000x128xf32, #tpu.memory_space<hbm>>
      tpu.wait_indirect_dma semaphore(%arg13 : memref<!tpu.dma_semaphore, #tpu.memory_space<semaphore_mem>>) src(%dma_wait3A_311 : memref<100000x128xf32, #tpu.memory_space<hbm>>) dst(%dma_wait3A_305 : memref<80x128xf32, #tpu.memory_space<vmem>>)
      %add3A_312 = arith.constant 2 : i32
      %add3A_313 = arith.addi %add3A_246, %add3A_312 : i32
      %mul3A_314 = arith.constant 400 : i32
      %mul3A_315 = arith.muli %add3A_246, %mul3A_314 : i32
      %add3A_316 = arith.addi %mul3A_2, %mul3A_315 : i32
      "tpu.region"() ({
        %run_scoped3A = tpu.sem_alloc : memref<!tpu.dma_semaphore, #tpu.memory_space<semaphore_mem>>
        %dma_start3A_322 = arith.constant 0 : i32
        %dma_start3A_323 = tpu.memref_slice %arg5[%add3A_316, %dma_start3A_322] : memref<320000x128xf32, #tpu.memory_space<hbm>> -> memref<400x128xf32, #tpu.memory_space<hbm>>
        %dma_start3A_324 = arith.constant 0 : i32
        %dma_start3A_325 = tpu.memref_slice %arg5[%add3A_316, %dma_start3A_324] : memref<320000x128xf32, #tpu.memory_space<hbm>> -> memref<400x128xf32, #tpu.memory_space<hbm>>
        tpu.enqueue_dma source(%arg10 : memref<400x128xf32, #tpu.memory_space<vmem>>) target(%dma_start3A_325 : memref<400x128xf32, #tpu.memory_space<hbm>>) target_semaphore(%run_scoped3A : memref<!tpu.dma_semaphore, #tpu.memory_space<semaphore_mem>>)
        %dma_wait3A_326 = arith.constant 0 : i32
        %dma_wait3A_327 = tpu.memref_slice %arg5[%add3A_316, %dma_wait3A_326] : memref<320000x128xf32, #tpu.memory_space<hbm>> -> memref<400x128xf32, #tpu.memory_space<hbm>>
        %dma_wait3A_328 = arith.constant 0 : i32
        %dma_wait3A_329 = tpu.memref_slice %arg5[%add3A_316, %dma_wait3A_328] : memref<320000x128xf32, #tpu.memory_space<hbm>> -> memref<400x128xf32, #tpu.memory_space<hbm>>
        tpu.wait_dma2 semaphore(%run_scoped3A : memref<!tpu.dma_semaphore, #tpu.memory_space<semaphore_mem>>) src(%arg10 : memref<400x128xf32, #tpu.memory_space<vmem>>) dst(%dma_wait3A_329 : memref<400x128xf32, #tpu.memory_space<hbm>>)
        tpu.yield
      }) : () -> ()
      %lt3A_317 = arith.constant 25 : i32
      %lt3A_318 = arith.cmpi slt, %add3A_313, %lt3A_317 : i32
      %convert_element_type3A_319 = arith.extui %lt3A_318 : i1 to i32
      %cond3A_320 = arith.constant 0 : i32
      %cond3A_321 = arith.cmpi ne, %convert_element_type3A_319, %cond3A_320 : i32
      scf.if %cond3A_321 {
        %mul3A_322 = arith.constant 5 : i32
        %mul3A_323 = arith.muli %add3A_313, %mul3A_322 : i32
        %add3A_324 = arith.constant 0 : i32
        %add3A_325 = arith.addi %mul3A_323, %add3A_324 : i32
        %dma_start3A_326 = arith.constant 0 : i32
        %dma_start3A_327 = arith.constant 0 : i32
        %dma_start3A_328 = tpu.memref_slice %arg10[%dma_start3A_326, %dma_start3A_327] : memref<400x128xf32, #tpu.memory_space<vmem>> -> memref<80x128xf32, #tpu.memory_space<vmem>>
        %dma_start3A_329 = arith.constant 0 : i32
        %dma_start3A_330 = tpu.memref_slice %arg7[%add3A_325, %dma_start3A_329] : memref<125x80xi32, #tpu.memory_space<vmem>> -> memref<1x80xi32, #tpu.memory_space<vmem>>
        %dma_start3A_331 = tpu.memref_squeeze %dma_start3A_330 : memref<1x80xi32, #tpu.memory_space<vmem>> -> memref<80xi32, #tpu.memory_space<vmem>>
        %dma_start3A_332 = arith.constant 0 : i32
        %dma_start3A_333 = arith.constant 0 : i32
        %dma_start3A_334 = tpu.memref_slice %arg2[%dma_start3A_332, %dma_start3A_333] : memref<100000x128xf32, #tpu.memory_space<hbm>> -> memref<100000x128xf32, #tpu.memory_space<hbm>>
        tpu.enqueue_indirect_dma source(%dma_start3A_334 : memref<100000x128xf32, #tpu.memory_space<hbm>>) target(%dma_start3A_328 : memref<80x128xf32, #tpu.memory_space<vmem>>) offsets(%dma_start3A_331 : memref<80xi32, #tpu.memory_space<vmem>>) semaphore(%arg13 : memref<!tpu.dma_semaphore, #tpu.memory_space<semaphore_mem>>)
        %mul3A_335 = arith.constant 5 : i32
        %mul3A_336 = arith.muli %add3A_313, %mul3A_335 : i32
        %add3A_337 = arith.constant 1 : i32
        %add3A_338 = arith.addi %mul3A_336, %add3A_337 : i32
        %dma_start3A_339 = arith.constant 80 : i32
        %dma_start3A_340 = arith.constant 0 : i32
        %dma_start3A_341 = tpu.memref_slice %arg10[%dma_start3A_339, %dma_start3A_340] : memref<400x128xf32, #tpu.memory_space<vmem>> -> memref<80x128xf32, #tpu.memory_space<vmem>>
        %dma_start3A_342 = arith.constant 0 : i32
        %dma_start3A_343 = tpu.memref_slice %arg7[%add3A_338, %dma_start3A_342] : memref<125x80xi32, #tpu.memory_space<vmem>> -> memref<1x80xi32, #tpu.memory_space<vmem>>
        %dma_start3A_344 = tpu.memref_squeeze %dma_start3A_343 : memref<1x80xi32, #tpu.memory_space<vmem>> -> memref<80xi32, #tpu.memory_space<vmem>>
        %dma_start3A_345 = arith.constant 0 : i32
        %dma_start3A_346 = arith.constant 0 : i32
        %dma_start3A_347 = tpu.memref_slice %arg2[%dma_start3A_345, %dma_start3A_346] : memref<100000x128xf32, #tpu.memory_space<hbm>> -> memref<100000x128xf32, #tpu.memory_space<hbm>>
        tpu.enqueue_indirect_dma source(%dma_start3A_347 : memref<100000x128xf32, #tpu.memory_space<hbm>>) target(%dma_start3A_341 : memref<80x128xf32, #tpu.memory_space<vmem>>) offsets(%dma_start3A_344 : memref<80xi32, #tpu.memory_space<vmem>>) semaphore(%arg13 : memref<!tpu.dma_semaphore, #tpu.memory_space<semaphore_mem>>)
        %mul3A_348 = arith.constant 5 : i32
        %mul3A_349 = arith.muli %add3A_313, %mul3A_348 : i32
        %add3A_350 = arith.constant 2 : i32
        %add3A_351 = arith.addi %mul3A_349, %add3A_350 : i32
        %dma_start3A_352 = arith.constant 160 : i32
        %dma_start3A_353 = arith.constant 0 : i32
        %dma_start3A_354 = tpu.memref_slice %arg10[%dma_start3A_352, %dma_start3A_353] : memref<400x128xf32, #tpu.memory_space<vmem>> -> memref<80x128xf32, #tpu.memory_space<vmem>>
        %dma_start3A_355 = arith.constant 0 : i32
        %dma_start3A_356 = tpu.memref_slice %arg7[%add3A_351, %dma_start3A_355] : memref<125x80xi32, #tpu.memory_space<vmem>> -> memref<1x80xi32, #tpu.memory_space<vmem>>
        %dma_start3A_357 = tpu.memref_squeeze %dma_start3A_356 : memref<1x80xi32, #tpu.memory_space<vmem>> -> memref<80xi32, #tpu.memory_space<vmem>>
        %dma_start3A_358 = arith.constant 0 : i32
        %dma_start3A_359 = arith.constant 0 : i32
        %dma_start3A_360 = tpu.memref_slice %arg2[%dma_start3A_358, %dma_start3A_359] : memref<100000x128xf32, #tpu.memory_space<hbm>> -> memref<100000x128xf32, #tpu.memory_space<hbm>>
        tpu.enqueue_indirect_dma source(%dma_start3A_360 : memref<100000x128xf32, #tpu.memory_space<hbm>>) target(%dma_start3A_354 : memref<80x128xf32, #tpu.memory_space<vmem>>) offsets(%dma_start3A_357 : memref<80xi32, #tpu.memory_space<vmem>>) semaphore(%arg13 : memref<!tpu.dma_semaphore, #tpu.memory_space<semaphore_mem>>)
        %mul3A_361 = arith.constant 5 : i32
        %mul3A_362 = arith.muli %add3A_313, %mul3A_361 : i32
        %add3A_363 = arith.constant 3 : i32
        %add3A_364 = arith.addi %mul3A_362, %add3A_363 : i32
        %dma_start3A_365 = arith.constant 240 : i32
        %dma_start3A_366 = arith.constant 0 : i32
        %dma_start3A_367 = tpu.memref_slice %arg10[%dma_start3A_365, %dma_start3A_366] : memref<400x128xf32, #tpu.memory_space<vmem>> -> memref<80x128xf32, #tpu.memory_space<vmem>>
        %dma_start3A_368 = arith.constant 0 : i32
        %dma_start3A_369 = tpu.memref_slice %arg7[%add3A_364, %dma_start3A_368] : memref<125x80xi32, #tpu.memory_space<vmem>> -> memref<1x80xi32, #tpu.memory_space<vmem>>
        %dma_start3A_370 = tpu.memref_squeeze %dma_start3A_369 : memref<1x80xi32, #tpu.memory_space<vmem>> -> memref<80xi32, #tpu.memory_space<vmem>>
        %dma_start3A_371 = arith.constant 0 : i32
        %dma_start3A_372 = arith.constant 0 : i32
        %dma_start3A_373 = tpu.memref_slice %arg2[%dma_start3A_371, %dma_start3A_372] : memref<100000x128xf32, #tpu.memory_space<hbm>> -> memref<100000x128xf32, #tpu.memory_space<hbm>>
        tpu.enqueue_indirect_dma source(%dma_start3A_373 : memref<100000x128xf32, #tpu.memory_space<hbm>>) target(%dma_start3A_367 : memref<80x128xf32, #tpu.memory_space<vmem>>) offsets(%dma_start3A_370 : memref<80xi32, #tpu.memory_space<vmem>>) semaphore(%arg13 : memref<!tpu.dma_semaphore, #tpu.memory_space<semaphore_mem>>)
        %mul3A_374 = arith.constant 5 : i32
        %mul3A_375 = arith.muli %add3A_313, %mul3A_374 : i32
        %add3A_376 = arith.constant 4 : i32
        %add3A_377 = arith.addi %mul3A_375, %add3A_376 : i32
        %dma_start3A_378 = arith.constant 320 : i32
        %dma_start3A_379 = arith.constant 0 : i32
        %dma_start3A_380 = tpu.memref_slice %arg10[%dma_start3A_378, %dma_start3A_379] : memref<400x128xf32, #tpu.memory_space<vmem>> -> memref<80x128xf32, #tpu.memory_space<vmem>>
        %dma_start3A_381 = arith.constant 0 : i32
        %dma_start3A_382 = tpu.memref_slice %arg7[%add3A_377, %dma_start3A_381] : memref<125x80xi32, #tpu.memory_space<vmem>> -> memref<1x80xi32, #tpu.memory_space<vmem>>
        %dma_start3A_383 = tpu.memref_squeeze %dma_start3A_382 : memref<1x80xi32, #tpu.memory_space<vmem>> -> memref<80xi32, #tpu.memory_space<vmem>>
        %dma_start3A_384 = arith.constant 0 : i32
        %dma_start3A_385 = arith.constant 0 : i32
        %dma_start3A_386 = tpu.memref_slice %arg2[%dma_start3A_384, %dma_start3A_385] : memref<100000x128xf32, #tpu.memory_space<hbm>> -> memref<100000x128xf32, #tpu.memory_space<hbm>>
        tpu.enqueue_indirect_dma source(%dma_start3A_386 : memref<100000x128xf32, #tpu.memory_space<hbm>>) target(%dma_start3A_380 : memref<80x128xf32, #tpu.memory_space<vmem>>) offsets(%dma_start3A_383 : memref<80xi32, #tpu.memory_space<vmem>>) semaphore(%arg13 : memref<!tpu.dma_semaphore, #tpu.memory_space<semaphore_mem>>)
      } else {
      }
    }
    %scan3A_108 = arith.constant 12 : i32
    %dma_wait3A = arith.constant 120 : i32
    %dma_wait3A_109 = arith.constant 0 : i32
    %dma_wait3A_110 = arith.constant 0 : i32
    %dma_wait3A_111 = tpu.memref_slice %arg9[%dma_wait3A_109, %dma_wait3A_110] : memref<400x128xf32, #tpu.memory_space<vmem>> -> memref<80x128xf32, #tpu.memory_space<vmem>>
    %dma_wait3A_112 = arith.constant 0 : i32
    %dma_wait3A_113 = tpu.memref_slice %arg7[%dma_wait3A, %dma_wait3A_112] : memref<125x80xi32, #tpu.memory_space<vmem>> -> memref<1x80xi32, #tpu.memory_space<vmem>>
    %dma_wait3A_114 = tpu.memref_squeeze %dma_wait3A_113 : memref<1x80xi32, #tpu.memory_space<vmem>> -> memref<80xi32, #tpu.memory_space<vmem>>
    %dma_wait3A_115 = arith.constant 0 : i32
    %dma_wait3A_116 = arith.constant 0 : i32
    %dma_wait3A_117 = tpu.memref_slice %arg2[%dma_wait3A_115, %dma_wait3A_116] : memref<100000x128xf32, #tpu.memory_space<hbm>> -> memref<100000x128xf32, #tpu.memory_space<hbm>>
    tpu.wait_indirect_dma semaphore(%arg12 : memref<!tpu.dma_semaphore, #tpu.memory_space<semaphore_mem>>) src(%dma_wait3A_117 : memref<100000x128xf32, #tpu.memory_space<hbm>>) dst(%dma_wait3A_111 : memref<80x128xf32, #tpu.memory_space<vmem>>)
    %dma_wait3A_118 = arith.constant 121 : i32
    %dma_wait3A_119 = arith.constant 80 : i32
    %dma_wait3A_120 = arith.constant 0 : i32
    %dma_wait3A_121 = tpu.memref_slice %arg9[%dma_wait3A_119, %dma_wait3A_120] : memref<400x128xf32, #tpu.memory_space<vmem>> -> memref<80x128xf32, #tpu.memory_space<vmem>>
    %dma_wait3A_122 = arith.constant 0 : i32
    %dma_wait3A_123 = tpu.memref_slice %arg7[%dma_wait3A_118, %dma_wait3A_122] : memref<125x80xi32, #tpu.memory_space<vmem>> -> memref<1x80xi32, #tpu.memory_space<vmem>>
    %dma_wait3A_124 = tpu.memref_squeeze %dma_wait3A_123 : memref<1x80xi32, #tpu.memory_space<vmem>> -> memref<80xi32, #tpu.memory_space<vmem>>
    %dma_wait3A_125 = arith.constant 0 : i32
    %dma_wait3A_126 = arith.constant 0 : i32
    %dma_wait3A_127 = tpu.memref_slice %arg2[%dma_wait3A_125, %dma_wait3A_126] : memref<100000x128xf32, #tpu.memory_space<hbm>> -> memref<100000x128xf32, #tpu.memory_space<hbm>>
    tpu.wait_indirect_dma semaphore(%arg12 : memref<!tpu.dma_semaphore, #tpu.memory_space<semaphore_mem>>) src(%dma_wait3A_127 : memref<100000x128xf32, #tpu.memory_space<hbm>>) dst(%dma_wait3A_121 : memref<80x128xf32, #tpu.memory_space<vmem>>)
    %dma_wait3A_128 = arith.constant 122 : i32
    %dma_wait3A_129 = arith.constant 160 : i32
    %dma_wait3A_130 = arith.constant 0 : i32
    %dma_wait3A_131 = tpu.memref_slice %arg9[%dma_wait3A_129, %dma_wait3A_130] : memref<400x128xf32, #tpu.memory_space<vmem>> -> memref<80x128xf32, #tpu.memory_space<vmem>>
    %dma_wait3A_132 = arith.constant 0 : i32
    %dma_wait3A_133 = tpu.memref_slice %arg7[%dma_wait3A_128, %dma_wait3A_132] : memref<125x80xi32, #tpu.memory_space<vmem>> -> memref<1x80xi32, #tpu.memory_space<vmem>>
    %dma_wait3A_134 = tpu.memref_squeeze %dma_wait3A_133 : memref<1x80xi32, #tpu.memory_space<vmem>> -> memref<80xi32, #tpu.memory_space<vmem>>
    %dma_wait3A_135 = arith.constant 0 : i32
    %dma_wait3A_136 = arith.constant 0 : i32
    %dma_wait3A_137 = tpu.memref_slice %arg2[%dma_wait3A_135, %dma_wait3A_136] : memref<100000x128xf32, #tpu.memory_space<hbm>> -> memref<100000x128xf32, #tpu.memory_space<hbm>>
    tpu.wait_indirect_dma semaphore(%arg12 : memref<!tpu.dma_semaphore, #tpu.memory_space<semaphore_mem>>) src(%dma_wait3A_137 : memref<100000x128xf32, #tpu.memory_space<hbm>>) dst(%dma_wait3A_131 : memref<80x128xf32, #tpu.memory_space<vmem>>)
    %dma_wait3A_138 = arith.constant 123 : i32
    %dma_wait3A_139 = arith.constant 240 : i32
    %dma_wait3A_140 = arith.constant 0 : i32
    %dma_wait3A_141 = tpu.memref_slice %arg9[%dma_wait3A_139, %dma_wait3A_140] : memref<400x128xf32, #tpu.memory_space<vmem>> -> memref<80x128xf32, #tpu.memory_space<vmem>>
    %dma_wait3A_142 = arith.constant 0 : i32
    %dma_wait3A_143 = tpu.memref_slice %arg7[%dma_wait3A_138, %dma_wait3A_142] : memref<125x80xi32, #tpu.memory_space<vmem>> -> memref<1x80xi32, #tpu.memory_space<vmem>>
    %dma_wait3A_144 = tpu.memref_squeeze %dma_wait3A_143 : memref<1x80xi32, #tpu.memory_space<vmem>> -> memref<80xi32, #tpu.memory_space<vmem>>
    %dma_wait3A_145 = arith.constant 0 : i32
    %dma_wait3A_146 = arith.constant 0 : i32
    %dma_wait3A_147 = tpu.memref_slice %arg2[%dma_wait3A_145, %dma_wait3A_146] : memref<100000x128xf32, #tpu.memory_space<hbm>> -> memref<100000x128xf32, #tpu.memory_space<hbm>>
    tpu.wait_indirect_dma semaphore(%arg12 : memref<!tpu.dma_semaphore, #tpu.memory_space<semaphore_mem>>) src(%dma_wait3A_147 : memref<100000x128xf32, #tpu.memory_space<hbm>>) dst(%dma_wait3A_141 : memref<80x128xf32, #tpu.memory_space<vmem>>)
    %dma_wait3A_148 = arith.constant 124 : i32
    %dma_wait3A_149 = arith.constant 320 : i32
    %dma_wait3A_150 = arith.constant 0 : i32
    %dma_wait3A_151 = tpu.memref_slice %arg9[%dma_wait3A_149, %dma_wait3A_150] : memref<400x128xf32, #tpu.memory_space<vmem>> -> memref<80x128xf32, #tpu.memory_space<vmem>>
    %dma_wait3A_152 = arith.constant 0 : i32
    %dma_wait3A_153 = tpu.memref_slice %arg7[%dma_wait3A_148, %dma_wait3A_152] : memref<125x80xi32, #tpu.memory_space<vmem>> -> memref<1x80xi32, #tpu.memory_space<vmem>>
    %dma_wait3A_154 = tpu.memref_squeeze %dma_wait3A_153 : memref<1x80xi32, #tpu.memory_space<vmem>> -> memref<80xi32, #tpu.memory_space<vmem>>
    %dma_wait3A_155 = arith.constant 0 : i32
    %dma_wait3A_156 = arith.constant 0 : i32
    %dma_wait3A_157 = tpu.memref_slice %arg2[%dma_wait3A_155, %dma_wait3A_156] : memref<100000x128xf32, #tpu.memory_space<hbm>> -> memref<100000x128xf32, #tpu.memory_space<hbm>>
    tpu.wait_indirect_dma semaphore(%arg12 : memref<!tpu.dma_semaphore, #tpu.memory_space<semaphore_mem>>) src(%dma_wait3A_157 : memref<100000x128xf32, #tpu.memory_space<hbm>>) dst(%dma_wait3A_151 : memref<80x128xf32, #tpu.memory_space<vmem>>)
    %add3A_158 = arith.constant 9600 : i32
    %add3A_159 = arith.addi %mul3A_2, %add3A_158 : i32
    "tpu.region"() ({
      %run_scoped3A = tpu.sem_alloc : memref<!tpu.dma_semaphore, #tpu.memory_space<semaphore_mem>>
      %dma_start3A_166 = arith.constant 0 : i32
      %dma_start3A_167 = tpu.memref_slice %arg5[%add3A_159, %dma_start3A_166] : memref<320000x128xf32, #tpu.memory_space<hbm>> -> memref<400x128xf32, #tpu.memory_space<hbm>>
      %dma_start3A_168 = arith.constant 0 : i32
      %dma_start3A_169 = tpu.memref_slice %arg5[%add3A_159, %dma_start3A_168] : memref<320000x128xf32, #tpu.memory_space<hbm>> -> memref<400x128xf32, #tpu.memory_space<hbm>>
      tpu.enqueue_dma source(%arg9 : memref<400x128xf32, #tpu.memory_space<vmem>>) target(%dma_start3A_169 : memref<400x128xf32, #tpu.memory_space<hbm>>) target_semaphore(%run_scoped3A : memref<!tpu.dma_semaphore, #tpu.memory_space<semaphore_mem>>)
      %dma_wait3A_170 = arith.constant 0 : i32
      %dma_wait3A_171 = tpu.memref_slice %arg5[%add3A_159, %dma_wait3A_170] : memref<320000x128xf32, #tpu.memory_space<hbm>> -> memref<400x128xf32, #tpu.memory_space<hbm>>
      %dma_wait3A_172 = arith.constant 0 : i32
      %dma_wait3A_173 = tpu.memref_slice %arg5[%add3A_159, %dma_wait3A_172] : memref<320000x128xf32, #tpu.memory_space<hbm>> -> memref<400x128xf32, #tpu.memory_space<hbm>>
      tpu.wait_dma2 semaphore(%run_scoped3A : memref<!tpu.dma_semaphore, #tpu.memory_space<semaphore_mem>>) src(%arg9 : memref<400x128xf32, #tpu.memory_space<vmem>>) dst(%dma_wait3A_173 : memref<400x128xf32, #tpu.memory_space<hbm>>)
      tpu.yield
    }) : () -> ()
    %scan3A_160 = arith.constant 0 : i32
    %scan3A_161 = arith.constant 0 : i32
    %scan3A_162 = arith.constant 4 : i32
    %scan3A_163 = arith.addi %scan3A_161, %scan3A_162 : i32
    %scan3A_164 = arith.constant 1 : i32
    scf.for %scan3A_166 = %scan3A_161 to %scan3A_163 step %scan3A_164  : i32 {
      %dma_start3A_167 = arith.constant 0 : i32
      %dma_start3A_168 = tpu.memref_slice %arg8[%scan3A_166, %dma_start3A_167] : memref<4x80xi32, #tpu.memory_space<vmem>> -> memref<1x80xi32, #tpu.memory_space<vmem>>
      %dma_start3A_169 = tpu.memref_squeeze %dma_start3A_168 : memref<1x80xi32, #tpu.memory_space<vmem>> -> memref<80xi32, #tpu.memory_space<vmem>>
      %dma_start3A_170 = arith.constant 0 : i32
      %dma_start3A_171 = arith.constant 0 : i32
      %dma_start3A_172 = tpu.memref_slice %arg2[%dma_start3A_170, %dma_start3A_171] : memref<100000x128xf32, #tpu.memory_space<hbm>> -> memref<100000x128xf32, #tpu.memory_space<hbm>>
      tpu.enqueue_indirect_dma source(%dma_start3A_172 : memref<100000x128xf32, #tpu.memory_space<hbm>>) target(%arg11 : memref<80x128xf32, #tpu.memory_space<vmem>>) offsets(%dma_start3A_169 : memref<80xi32, #tpu.memory_space<vmem>>) semaphore(%arg14 : memref<!tpu.dma_semaphore, #tpu.memory_space<semaphore_mem>>)
      %dma_wait3A_173 = arith.constant 0 : i32
      %dma_wait3A_174 = tpu.memref_slice %arg8[%scan3A_166, %dma_wait3A_173] : memref<4x80xi32, #tpu.memory_space<vmem>> -> memref<1x80xi32, #tpu.memory_space<vmem>>
      %dma_wait3A_175 = tpu.memref_squeeze %dma_wait3A_174 : memref<1x80xi32, #tpu.memory_space<vmem>> -> memref<80xi32, #tpu.memory_space<vmem>>
      %dma_wait3A_176 = arith.constant 0 : i32
      %dma_wait3A_177 = arith.constant 0 : i32
      %dma_wait3A_178 = tpu.memref_slice %arg2[%dma_wait3A_176, %dma_wait3A_177] : memref<100000x128xf32, #tpu.memory_space<hbm>> -> memref<100000x128xf32, #tpu.memory_space<hbm>>
      tpu.wait_indirect_dma semaphore(%arg14 : memref<!tpu.dma_semaphore, #tpu.memory_space<semaphore_mem>>) src(%dma_wait3A_178 : memref<100000x128xf32, #tpu.memory_space<hbm>>) dst(%arg11 : memref<80x128xf32, #tpu.memory_space<vmem>>)
      %mul3A_179 = arith.constant 80 : i32
      %mul3A_180 = arith.muli %scan3A_166, %mul3A_179 : i32
      %add3A_181 = arith.addi %mul3A_4, %mul3A_180 : i32
      "tpu.region"() ({
        %run_scoped3A = tpu.sem_alloc : memref<!tpu.dma_semaphore, #tpu.memory_space<semaphore_mem>>
        %dma_start3A_182 = arith.constant 0 : i32
        %dma_start3A_183 = tpu.memref_slice %arg6[%add3A_181, %dma_start3A_182] : memref<10240x128xf32, #tpu.memory_space<hbm>> -> memref<80x128xf32, #tpu.memory_space<hbm>>
        %dma_start3A_184 = arith.constant 0 : i32
        %dma_start3A_185 = tpu.memref_slice %arg6[%add3A_181, %dma_start3A_184] : memref<10240x128xf32, #tpu.memory_space<hbm>> -> memref<80x128xf32, #tpu.memory_space<hbm>>
        tpu.enqueue_dma source(%arg11 : memref<80x128xf32, #tpu.memory_space<vmem>>) target(%dma_start3A_185 : memref<80x128xf32, #tpu.memory_space<hbm>>) target_semaphore(%run_scoped3A : memref<!tpu.dma_semaphore, #tpu.memory_space<semaphore_mem>>)
        %dma_wait3A_186 = arith.constant 0 : i32
        %dma_wait3A_187 = tpu.memref_slice %arg6[%add3A_181, %dma_wait3A_186] : memref<10240x128xf32, #tpu.memory_space<hbm>> -> memref<80x128xf32, #tpu.memory_space<hbm>>
        %dma_wait3A_188 = arith.constant 0 : i32
        %dma_wait3A_189 = tpu.memref_slice %arg6[%add3A_181, %dma_wait3A_188] : memref<10240x128xf32, #tpu.memory_space<hbm>> -> memref<80x128xf32, #tpu.memory_space<hbm>>
        tpu.wait_dma2 semaphore(%run_scoped3A : memref<!tpu.dma_semaphore, #tpu.memory_space<semaphore_mem>>) src(%arg11 : memref<80x128xf32, #tpu.memory_space<vmem>>) dst(%dma_wait3A_189 : memref<80x128xf32, #tpu.memory_space<hbm>>)
        tpu.yield
      }) : () -> ()
    }
    %scan3A_165 = arith.constant 4 : i32
    return
  }
}

module attributes {stable_mosaic.version = 14 : i64} {
  func.func @_tc_body(%arg0: i32, %arg1: memref<32x400x128xf32, #tpu.memory_space<vmem>>, %arg2: memref<400x128xf32, #tpu.memory_space<vmem>>, %arg3: memref<128x128xbf16, #tpu.memory_space<vmem>>, %arg4: memref<128x128xbf16, #tpu.memory_space<vmem>>, %arg5: memref<128x128xbf16, #tpu.memory_space<vmem>>, %arg6: memref<1x128xf32, #tpu.memory_space<vmem>>, %arg7: memref<1x128xf32, #tpu.memory_space<vmem>>, %arg8: memref<400x128xf32, #tpu.memory_space<vmem>>) attributes {dimension_semantics = [#tpu.dimension_semantics<parallel>], iteration_bounds = array<i64: 25>, scalar_prefetch = 0 : i64, scratch_operands = 0 : i64, tpu.core_type = #tpu.core_type<tc>, window_params = [{transform_indices = @transform_0, window_bounds = array<i64: 32, 400, 128>}, {transform_indices = @transform_1, window_bounds = array<i64: 400, 128>}, {pipeline_mode = #tpu.pipeline_mode<synchronous>, transform_indices = @transform_2, window_bounds = array<i64: 128, 128>}, {pipeline_mode = #tpu.pipeline_mode<synchronous>, transform_indices = @transform_3, window_bounds = array<i64: 128, 128>}, {pipeline_mode = #tpu.pipeline_mode<synchronous>, transform_indices = @transform_4, window_bounds = array<i64: 128, 128>}, {pipeline_mode = #tpu.pipeline_mode<synchronous>, transform_indices = @transform_5, window_bounds = array<i64: 1, 128>}, {pipeline_mode = #tpu.pipeline_mode<synchronous>, transform_indices = @transform_6, window_bounds = array<i64: 1, 128>}, {transform_indices = @transform_7, window_bounds = array<i64: 400, 128>}]} {
    %get3A = arith.constant 0 : index
    %get3A_0 = arith.constant 0 : index
    %get3A_1 = arith.constant 0 : index
    %get3A_2 = vector.load %arg1[%get3A, %get3A_0, %get3A_1] : memref<32x400x128xf32, #tpu.memory_space<vmem>>, vector<32x400x128xf32>
    %get3A_3 = arith.constant 0 : index
    %get3A_4 = arith.constant 0 : index
    %get3A_5 = vector.load %arg2[%get3A_3, %get3A_4] : memref<400x128xf32, #tpu.memory_space<vmem>>, vector<400x128xf32>
    %convert_element_type3A = arith.truncf %get3A_5 : vector<400x128xf32> to vector<400x128xbf16>
    %get3A_6 = arith.constant 0 : index
    %get3A_7 = arith.constant 0 : index
    %get3A_8 = vector.load %arg4[%get3A_6, %get3A_7] : memref<128x128xbf16, #tpu.memory_space<vmem>>, vector<128x128xbf16>
    %dot_general3A = arith.constant dense<0.000000e+00> : vector<400x128xf32>
    %dot_general3A_9 = tpu.matmul %convert_element_type3A, %get3A_8, %dot_general3A {dimension_numbers = #tpu.dot_dimension_numbers<[1], [0], [0], [1], [0, 0, 1, 1], [], []>, transpose_lhs_hint = false} : vector<400x128xbf16>, vector<128x128xbf16>, vector<400x128xf32> -> vector<400x128xf32>
    %get3A_10 = arith.constant 0 : index
    %get3A_11 = arith.constant 0 : index
    %get3A_12 = vector.load %arg7[%get3A_10, %get3A_11] : memref<1x128xf32, #tpu.memory_space<vmem>>, vector<1x128xf32>
    %add3A = vector.broadcast %get3A_12 : vector<1x128xf32> to vector<400x128xf32>
    %add3A_13 = arith.addf %dot_general3A_9, %add3A : vector<400x128xf32>
    %reshape3A = vector.shape_cast %get3A_2 : vector<32x400x128xf32> to vector<12800x128xf32>
    %convert_element_type3A_14 = arith.truncf %reshape3A : vector<12800x128xf32> to vector<12800x128xbf16>
    %get3A_15 = arith.constant 0 : index
    %get3A_16 = arith.constant 0 : index
    %get3A_17 = vector.load %arg3[%get3A_15, %get3A_16] : memref<128x128xbf16, #tpu.memory_space<vmem>>, vector<128x128xbf16>
    %dot_general3A_18 = arith.constant dense<0.000000e+00> : vector<12800x128xf32>
    %dot_general3A_19 = tpu.matmul %convert_element_type3A_14, %get3A_17, %dot_general3A_18 {dimension_numbers = #tpu.dot_dimension_numbers<[1], [0], [0], [1], [0, 0, 1, 1], [], []>, transpose_lhs_hint = false} : vector<12800x128xbf16>, vector<128x128xbf16>, vector<12800x128xf32> -> vector<12800x128xf32>
    %reshape3A_20 = vector.shape_cast %dot_general3A_19 : vector<12800x128xf32> to vector<32x400x128xf32>
    %broadcast_in_dim3A = vector.shape_cast %add3A_13 : vector<400x128xf32> to vector<1x400x128xf32>
    %add3A_21 = vector.broadcast %broadcast_in_dim3A : vector<1x400x128xf32> to vector<32x400x128xf32>
    %add3A_22 = arith.addf %reshape3A_20, %add3A_21 : vector<32x400x128xf32>
    %max3A = arith.constant 0.000000e+00 : f32
    %max3A_23 = vector.broadcast %max3A : f32 to vector<32x400x128xf32>
    %max3A_24 = arith.maximumf %add3A_22, %max3A_23 : vector<32x400x128xf32>
    %reshape3A_25 = vector.shape_cast %max3A_24 : vector<32x400x128xf32> to vector<12800x128xf32>
    %convert_element_type3A_26 = arith.truncf %reshape3A_25 : vector<12800x128xf32> to vector<12800x128xbf16>
    %get3A_27 = arith.constant 0 : index
    %get3A_28 = arith.constant 0 : index
    %get3A_29 = vector.load %arg5[%get3A_27, %get3A_28] : memref<128x128xbf16, #tpu.memory_space<vmem>>, vector<128x128xbf16>
    %dot_general3A_30 = arith.constant dense<0.000000e+00> : vector<12800x128xf32>
    %dot_general3A_31 = tpu.matmul %convert_element_type3A_26, %get3A_29, %dot_general3A_30 {dimension_numbers = #tpu.dot_dimension_numbers<[1], [0], [0], [1], [0, 0, 1, 1], [], []>, transpose_lhs_hint = false} : vector<12800x128xbf16>, vector<128x128xbf16>, vector<12800x128xf32> -> vector<12800x128xf32>
    %reshape3A_32 = vector.shape_cast %dot_general3A_31 : vector<12800x128xf32> to vector<32x400x128xf32>
    %max3A_33 = arith.constant 0.000000e+00 : f32
    %max3A_34 = vector.broadcast %max3A_33 : f32 to vector<32x400x128xf32>
    %max3A_35 = arith.maximumf %reshape3A_32, %max3A_34 : vector<32x400x128xf32>
    %get3A_36 = arith.constant 0 : index
    %get3A_37 = arith.constant 0 : index
    %get3A_38 = vector.load %arg6[%get3A_36, %get3A_37] : memref<1x128xf32, #tpu.memory_space<vmem>>, vector<1x128xf32>
    %broadcast_in_dim3A_39 = vector.shape_cast %get3A_38 : vector<1x128xf32> to vector<1x1x128xf32>
    %mul3A = vector.broadcast %broadcast_in_dim3A_39 : vector<1x1x128xf32> to vector<32x400x128xf32>
    %mul3A_40 = arith.mulf %max3A_35, %mul3A : vector<32x400x128xf32>
    %reduce_sum3A = arith.constant dense<0.000000e+00> : vector<32x400xf32>
    %reduce_sum3A_41 = vector.multi_reduction <add>, %mul3A_40, %reduce_sum3A [2] : vector<32x400x128xf32> to vector<32x400xf32>
    %broadcast_in_dim3A_42 = vector.shape_cast %reduce_sum3A_41 : vector<32x400xf32> to vector<32x400x1xf32>
    %reduce_max3A = arith.constant dense<0xFF800000> : vector<400x1xf32>
    %reduce_max3A_43 = vector.multi_reduction <maximumf>, %broadcast_in_dim3A_42, %reduce_max3A [0] : vector<32x400x1xf32> to vector<400x1xf32>
    %broadcast_in_dim3A_44 = vector.shape_cast %reduce_max3A_43 : vector<400x1xf32> to vector<1x400x1xf32>
    %sub3A = vector.broadcast %broadcast_in_dim3A_44 : vector<1x400x1xf32> to vector<32x400x1xf32>
    %sub3A_45 = arith.subf %broadcast_in_dim3A_42, %sub3A : vector<32x400x1xf32>
    %exp3A = math.exp %sub3A_45 : vector<32x400x1xf32>
    %reduce_sum3A_46 = arith.constant dense<0.000000e+00> : vector<400x1xf32>
    %reduce_sum3A_47 = vector.multi_reduction <add>, %exp3A, %reduce_sum3A_46 [0] : vector<32x400x1xf32> to vector<400x1xf32>
    %mul3A_48 = vector.broadcast %exp3A : vector<32x400x1xf32> to vector<32x400x128xf32>
    %mul3A_49 = arith.mulf %mul3A_48, %get3A_2 : vector<32x400x128xf32>
    %reduce_sum3A_50 = arith.constant dense<0.000000e+00> : vector<400x128xf32>
    %reduce_sum3A_51 = vector.multi_reduction <add>, %mul3A_49, %reduce_sum3A_50 [0] : vector<32x400x128xf32> to vector<400x128xf32>
    %div3A = vector.broadcast %reduce_sum3A_47 : vector<400x1xf32> to vector<400x128xf32>
    %div3A_52 = arith.divf %reduce_sum3A_51, %div3A : vector<400x128xf32>
    %swap3A = arith.constant 0 : index
    %swap3A_53 = arith.constant 0 : index
    %swap3A_54 = vector.load %arg8[%swap3A, %swap3A_53] : memref<400x128xf32, #tpu.memory_space<vmem>>, vector<400x128xf32>
    tpu.vector_store %arg8[%swap3A, %swap3A_53], %div3A_52 {strides = array<i32>} : memref<400x128xf32, #tpu.memory_space<vmem>>, vector<400x128xf32>,
    return
  }
  func.func @transform_0(%arg0: i32) -> (i32, i32, i32) {
    %c0_i32 = arith.constant 0 : i32
    %c0_i32_0 = arith.constant 0 : i32
    %c0_i32_1 = arith.constant 0 : i32
    return %c0_i32, %arg0, %c0_i32_0 : i32, i32, i32
  }
  func.func @transform_1(%arg0: i32) -> (i32, i32) {
    %c0_i32 = arith.constant 0 : i32
    %c0_i32_0 = arith.constant 0 : i32
    return %arg0, %c0_i32 : i32, i32
  }
  func.func @transform_2(%arg0: i32) -> (i32, i32) {
    %c0_i32 = arith.constant 0 : i32
    %c0_i32_0 = arith.constant 0 : i32
    %c0_i32_1 = arith.constant 0 : i32
    return %c0_i32, %c0_i32_0 : i32, i32
  }
  func.func @transform_3(%arg0: i32) -> (i32, i32) {
    %c0_i32 = arith.constant 0 : i32
    %c0_i32_0 = arith.constant 0 : i32
    %c0_i32_1 = arith.constant 0 : i32
    return %c0_i32, %c0_i32_0 : i32, i32
  }
  func.func @transform_4(%arg0: i32) -> (i32, i32) {
    %c0_i32 = arith.constant 0 : i32
    %c0_i32_0 = arith.constant 0 : i32
    %c0_i32_1 = arith.constant 0 : i32
    return %c0_i32, %c0_i32_0 : i32, i32
  }
  func.func @transform_5(%arg0: i32) -> (i32, i32) {
    %c0_i32 = arith.constant 0 : i32
    %c0_i32_0 = arith.constant 0 : i32
    %c0_i32_1 = arith.constant 0 : i32
    return %c0_i32, %c0_i32_0 : i32, i32
  }
  func.func @transform_6(%arg0: i32) -> (i32, i32) {
    %c0_i32 = arith.constant 0 : i32
    %c0_i32_0 = arith.constant 0 : i32
    %c0_i32_1 = arith.constant 0 : i32
    return %c0_i32, %c0_i32_0 : i32, i32
  }
  func.func @transform_7(%arg0: i32) -> (i32, i32) {
    %c0_i32 = arith.constant 0 : i32
    %c0_i32_0 = arith.constant 0 : i32
    return %arg0, %c0_i32 : i32, i32
  }
}

</mosaic_0001>

<sc_bundles>
// kernel: kernel.4.cloned.1.call-start
scs
__scs_entry_jumppad:
0x0: {  	(pc) =	sbr.rel $0x88, $3  }
0x1: {  	(tag) =	ssettag $0x0;
	lr =	simm.s32 $0x1  }
0x2: {  	[smem:$0x3F9A] =	sst lr;
	_ =	strace $0xD0000000  }
0x3: {  	_ = 	snop  }
0x4: {  	_ = 	snop  }
0x5: {  	_ = 	snop  }
0x6: {  	_ = 	snop  }
0x7: {  	_ = 	snop  }
__scs_overlays_trampoline_lowered:
0x8: {  	[smem:$0x3FA9] =	sst s0  }
0x9: {  	[smem:$0x3FAA] =	sst s1  }
0xa: {  	[smem:$0x3FAB] =	sst s2  }
0xb: {  	[smem:$0x3FAC] =	sst s3  }
0xc: {  	[smem:$0x3FAD] =	sst s4  }
0xd: {  	[smem:$0x3FAE] =	sst s5  }
0xe: {  	[smem:$0x3FAF] =	sst s6  }
0xf: {  	[smem:$0x3FB0] =	sst s7  }
0x10: {  	[smem:$0x3FB1] =	sst s8  }
0x11: {  	[smem:$0x3FB2] =	sst s9;
	s0 =	simm.s32 @!p0 $0x0  }
0x12: {  	s1 =	sld [smem:$0x3F98];
	s0 =	simm.s32 @p0 $0x1  }
0x13: {  	[smem:$0x3FB3] =	sst s0;
	s0 =	simm.s32 @!p1 $0x0  }
0x14: {  	s2 =	sld [smem:$0x3F97];
	s0 =	simm.s32 @p1 $0x1  }
0x15: {  	[smem:$0x3FB4] =	sst s0;
	s0 =	simm.s32 @!p2 $0x0  }
0x16: {  	s3 =	sld [smem:$0x3FDB];
	s0 =	simm.s32 @p2 $0x1  }
0x17: {  	s4 =	simm.s32 $0x1BF5;
	[smem:$0x3FB6] =	sst s0  }
0x18: {  	s0 =	sld [smem:$0x3F99];
	_ =	swait.ge [sflag:s4], $0x0  }
0x19: {  	s7 =	sld [smem:$0x3F9A]  }
0x1a: {  	s8 =	sadd.s32 $0xFFFFE003, lr  }
0x1b: {  	s9 =	sadd.s32 $0xFFFFFEF7, lr;
	s5 =	simm.s32 $0xFFFFFFFF;
	p2 =	slt.u32 s8, $0xFFFFF086  }
0x1c: {  	p1 =	slt.u32 s9, $0xF7A;
	s5 =	simm.s32 @!p2 $0x0  }
0x1d: {  	s5 =	simm.s32 @p1 $0x1;
	p0 =	seq.s32 s7, s2  }
0x1e: {  	s7 =	smul.u32 @!p0 $0xF7A, s2;
	p2 =	seq.s32 @!p0 s5, $0x0  }
0x1f: {  	s9 =	smul.u32 $0xF7A, s1;
	s8 =	simm.s32 @!p0 $0x1BF5;
	p2 =	por !p2, p0  }
0x20: {  	[sflag:s8] =	ssyncset.s32 @!p0 $0xFFFFF086;
	s6 =	sadd.s32 @!p0 s3, s7;
	s7 =	simm.s32 @!p0 $0x108  }
0x21: {  	s3 =	sadd.s32 s3, s9;
	s6 =	sadd.s32 @!p0 $0x88, s6;
	s7 =	simm.s32 @p2 $0x1082  }
0x22: {  	[simem:s7], [sflag:s8] =	dma.local @!p0 [hbm:s6], $0xF7A  }
0x23: {  	s9 =	sor.u32 $0xD0000000, s2;
	s6 =	simm.s32 $0x108;
	_ =	swait.ge @!p0 [sflag:s8], $0x0  }
0x24: {  	s3 =	sadd.s32 $0x88, s3;
	s6 =	simm.s32 @!p1 $0x1082;
	[sflag:s4] =	ssyncset.s32 $0xFFFFF086  }
0x25: {  	[simem:s6], [sflag:s4] =	dma.local [hbm:s3], $0xF7A  }
0x26: {  	[smem:$0x3F9A] =	sst s1;
	(tag) =	ssettag s2;
	_ =	strace s9  }
0x27: {  	s1 =	sld [smem:$0x3FAA]  }
0x28: {  	s2 =	sld [smem:$0x3FAB]  }
0x29: {  	s4 =	sld [smem:$0x3FAD]  }
0x2a: {  	p0 =	seq.s32 s5, $0x0;
	s5 =	sld [smem:$0x3FAE]  }
0x2b: {  	s6 =	sld [smem:$0x3FAF]  }
0x2c: {  	s7 =	sld [smem:$0x3FB0]  }
0x2d: {  	s3 =	simm.s32 $0x108;
	s8 =	sld [smem:$0x3FB1]  }
0x2e: {  	s3 =	simm.s32 @!p0 $0x1082;
	s9 =	sld [smem:$0x3FB2]  }
0x2f: {  	lr =	sadd.s32 s0, s3;
	s0 =	sld [smem:$0x3FA9]  }
0x30: {  	s3 =	sld [smem:$0x3FAC]  }
0x31: {  	[smem:$0x3FB5] =	sst s10  }
0x32: {  	s10 =	sld [smem:$0x3FB3];
	_ =	sdelay $0x3  }
0x33: {  	p0 =	seq.s32 s10, $0x1;
	s10 =	sld [smem:$0x3FB5];
	_ =	sdelay $0x3  }
0x34: {  	[smem:$0x3FB5] =	sst s10  }
0x35: {  	s10 =	sld [smem:$0x3FB4];
	_ =	sdelay $0x3  }
0x36: {  	p1 =	seq.s32 s10, $0x1;
	s10 =	sld [smem:$0x3FB5];
	_ =	sdelay $0x3  }
0x37: {  	[smem:$0x3FB5] =	sst s10  }
0x38: {  	s10 =	sld [smem:$0x3FB6]  }
0x39: {  	_ = 	snop;
	(pc) =	sbr.ind lr, $3  }
0x3a: {  	_ = 	snop  }
0x3b: {  	_ = 	snop  }
0x3c: {  	p2 =	seq.s32 s10, $0x1;
	s10 =	sld [smem:$0x3FB5]  }
0x3d: {  	_ =	shalt  }
0x3e: {  	_ =	shalt  }
0x3f: {  	_ =	shalt  }
0x40: {  	_ =	shalt  }
0x41: {  	_ =	shalt  }
0x42: {  	_ =	shalt  }
0x43: {  	_ =	shalt  }
0x44: {  	_ =	shalt  }
0x45: {  	_ =	shalt  }
0x46: {  	_ =	shalt  }
0x47: {  	_ =	shalt  }
0x48: {  	_ =	shalt  }
0x49: {  	_ =	shalt  }
0x4a: {  	_ =	shalt  }
0x4b: {  	_ =	shalt  }
0x4c: {  	_ =	shalt  }
0x4d: {  	_ =	shalt  }
0x4e: {  	_ =	shalt  }
0x4f: {  	_ =	shalt  }
0x50: {  	_ =	shalt  }
0x51: {  	_ =	shalt  }
0x52: {  	_ =	shalt  }
0x53: {  	_ =	shalt  }
0x54: {  	_ =	shalt  }
0x55: {  	_ =	shalt  }
0x56: {  	_ =	shalt  }
0x57: {  	_ =	shalt  }
0x58: {  	_ =	shalt  }
0x59: {  	_ =	shalt  }
0x5a: {  	_ =	shalt  }
0x5b: {  	_ =	shalt  }
0x5c: {  	_ =	shalt  }
0x5d: {  	_ =	shalt  }
0x5e: {  	_ =	shalt  }
0x5f: {  	_ =	shalt  }
0x60: {  	_ =	shalt  }
0x61: {  	_ =	shalt  }
0x62: {  	_ =	shalt  }
0x63: {  	_ =	shalt  }
0x64: {  	_ =	shalt  }
0x65: {  	_ =	shalt  }
0x66: {  	_ =	shalt  }
0x67: {  	_ =	shalt  }
0x68: {  	_ =	shalt  }
0x69: {  	_ =	shalt  }
0x6a: {  	_ =	shalt  }
0x6b: {  	_ =	shalt  }
0x6c: {  	_ =	shalt  }
0x6d: {  	_ =	shalt  }
0x6e: {  	_ =	shalt  }
0x6f: {  	_ =	shalt  }
0x70: {  	_ =	shalt  }
0x71: {  	_ =	shalt  }
0x72: {  	_ =	shalt  }
0x73: {  	_ =	shalt  }
0x74: {  	_ =	shalt  }
0x75: {  	_ =	shalt  }
0x76: {  	_ =	shalt  }
0x77: {  	_ =	shalt  }
0x78: {  	_ =	shalt  }
0x79: {  	_ =	shalt  }
0x7a: {  	_ =	shalt  }
0x7b: {  	_ =	shalt  }
0x7c: {  	_ =	shalt  }
0x7d: {  	_ =	shalt  }
0x7e: {  	_ =	shalt  }
0x7f: {  	_ =	shalt  }
0x80: {  	_ =	shalt  }
0x81: {  	_ =	shalt  }
0x82: {  	_ =	shalt  }
0x83: {  	_ =	shalt  }
0x84: {  	_ =	shalt  }
0x85: {  	_ =	shalt  }
0x86: {  	_ =	shalt  }
0x87: {  	_ =	shalt  }
.Lfunc_end0:
.L_simem_size_0:
called_computation_lowered:
.L_overlay_start_0:
0x88: {  	s2 =	sld [smem:$0x3FD9]  }
0x89: {  	s3 =	sld [smem:$0x3FFE];
	_ =	sdelay $0x1  }
0x8a: {  	s1 =	srdreg.scid  }
0x8b: {  	s0 =	sand.u32 $0x1, s1  }
0x8c: {  	s17 =	sshll.u32 s0, $0xA;
	s2 =	sadd.s32 s3, s2  }
0x8d: {  	s2 =	sadd.s32 s2, s17  }
0x8e: {  	[smem:$0x3FC1] =	sst s2  }
0x8f: {  	_ = 	snop  }
0x90: {  	s2 =	sld [smem:$0x3FC7]  }
0x91: {  	s18 =	sld [smem:$0x3FD0];
	(tm) =	ssettm $0x1  }
0x92: {  	s4 =	sld [smem:$0x3FFB];
	_ =	sdelay $0x3  }
0x93: {  	_ =	strace s4  }
0x94: {  	s4 =	sld [smem:$0x3FFC];
	_ =	sdelay $0x3  }
0x95: {  	_ =	strace s4  }
0x96: {  	s4 =	sld [smem:$0x3FFD];
	_ =	sdelay $0x3  }
0x97: {  	_ =	strace s4  }
0x98: {  	_ =	strace $0x8FFFFFFF  }
0x99: {  	s19 =	sld [smem:$0x3FDB];
	_ =	sdelay $0x1  }
0x9a: {  	s5 =	simm.s32 $_scs_section_size  }
0x9b: {  	s6 =	simm.s32 $_size__tile_overlayer_lowered;
	s7 =	simm.s32 $_tile_overlayer_lowered  }
0x9c: {  	s22 =	simm.s32 $0x1BFF;
	s21 =	sshll.u32 s7, $0x1;
	s4 =	sadd.s32 s5, s19  }
0x9d: {  	s8 =	simm.s32 $0x0;
	s20 =	sshll.u32 s6, $0x1;
	s6 =	sadd.s32 s21, s4  }
0x9e: {  	[timem:s8], [sflag:s22] =	dma.local [hbm:s6], s20  }
0x9f: {  	_ =	swait.ge [sflag:s22], s20  }
0xa0: {  	s5 =	ssub.s32 $0x0, s20;
	[sflag:s22] =	ssyncset.done $0x0  }
0xa1: {  	[sflag:s22] =	ssyncadd.s32 s5;
	_ =	sdelay $0x1  }
0xa2: {  	s23 =	simm.s32 $0x1B8B  }
0xa3: {  	_ =	swait.ge [sflag:s23], $0x1  }
0xa4: {  	[sflag:s23] =	ssyncset.done $0x0  }
0xa5: {  	s25 =	simm.s32 $0x1B8E;
	s24 =	sld [smem:$0x3FFE];
	[sflag:s23] =	ssyncadd.s32 $0xFFFFFFFF  }
0xa6: {  	s26 =	simm.s32 $execute0_lowered;
	[smem:$0x3FD2] =	sst s25  }
0xa7: {  	s6 =	sshll.u32 s26, $0x1;
	_ =	strace $0x80000046;
	[dreg:$0x1] =	wrdreg $0xFFFFFFFF  }
0xa8: {  	s28 =	simm.s32 $_size_execute0_lowered;
	s4 =	sadd.s32 s4, s6;
	[dreg:$0x0] =	wrdreg $0x0  }
0xa9: {  	s6 =	sshll.u32 s28, $0x1;
	[dreg:$0x2] =	wrdreg s4  }
0xaa: {  	[dreg:$0x3] =	wrdreg s6  }
0xab: {  	[dreg:$0x4] =	wrdreg $0xC0  }
0xac: {  	_ =	task [dreg:s8], $0x5FFFF  }
0xad: {  	[dreg:$0x1] =	wrdreg $0xFFFFFFFF  }
0xae: {  	[dreg:$0x0] =	wrdreg $0x60  }
0xaf: {  	[dreg:$0x2] =	wrdreg s2  }
0xb0: {  	[dreg:$0x3] =	wrdreg s18  }
0xb1: {  	[dreg:$0x4] =	wrdreg s24  }
0xb2: {  	[dreg:$0x5] =	wrdreg $0x9  }
0xb3: {  	_ =	task.clear_ibuf [dreg:s8], $0x6FFFF;
	_ =	strace $0x90000046  }
0xb4: {  	s29 =	simm.s32 $0x9;
	_ =	strace $0x80000048  }
0xb5: {  	_ =	swait.ge [sflag:s29], $0x1  }
0xb6: {  	[sflag:s29] =	ssyncadd.s32 $0xFFFFFFFF  }
0xb7: {  	_ =	strace $0x90000048  }
0xb8: {  	_ =	sfence  }
0xb9: {  	s30 =	sld [smem:$0x0];
	_ =	sdelay $0x2  }
0xba: {  	s31 =	sshll.u32 s1, $0xD;
	s1 =	sshrl.u32 s1, $0x2  }
0xbb: {  	s3 =	sand.u32 $0x4000, s31;
	s1 =	sadd.s32 s1, s30  }
0xbc: {  	s0 =	sor.u32 s3, s0;
	s1 =	sshll.u32 s1, $0x11  }
0xbd: {  	s0 =	sor.u32 s1, s0  }
0xbe: {  	s0 =	sadd.s32 $0x8F2B, s0  }
0xbf: {  	[sflag:s0] =	ssyncadd.remote.s32 $0x1  }
0xc0: {  	_ =	sfence.sel $0xFFFF  }
0xc1: {  	[dreg:$0x0] =	wrdreg $0xFFFFFFFF;
	(pc) =	sbr.abs _section_cstart, $3  }
0xc2: {  	[dreg:$0x1] =	wrdreg $0xFFFFFFFF  }
0xc3: {  	_ =	task.clear_ibuf [dreg:s8], $0x2FFFF;
	_ =	strace $0x9FFFFFFF  }
0xc4: {  	(tm) =	ssettm $0x7FFFFFFF  }
0xc5: {  	_ =	shalt  }
tec
execute0_lowered:
.L_overlay_start_1:
0x0: {  	(tag) =	ssettag $0x1  }
0x1: {  	s1 =	rddreg [dreg:$0x0]  }
0x2: {  	s0 =	rddreg [dreg:$0x1]  }
0x3: {  	s2 =	rddreg [dreg:$0x2]  }
0x4: {  	s4 =	srdreg.scid;
	s11 =	stileid.u32  }
0x5: {  	s3 =	simm.s32 $0x0;
	s15 =	simm.s32 $0x4;
	s16 =	simm.s32 $0x4000  }
0x6: {  	s29 =	simm.s32 $0x10A00;
	s31 =	simm.s32 $0x13200;
	s28 =	simm.s32 $0x1  }
0x7: {  	s30 =	simm.s32 $0x2;
	s4 =	sand.u32 $0x1, s4;
	s5 =	sshll.u32 s11, $0x1  }
0x8: {  	[smem:$0x7FF] =	sst s3;
	s12 =	sadd.s32 $0x29C00, s2;
	s24 =	smul.u32 $0x4E200, s11  }
0x9: {  	s5 =	sor.u32 s4, s5;
	_ =	strace $0x80000047;
	s25 =	smul.u32 $0x27100, s4  }
0xa: {  	s8 =	ssub.s32 $0x2, s4;
	s6 =	smul.u32 $0x1400, s5;
	s7 =	sshll.u32 s5, $0x6  }
0xb: {  	s9 =	smul.u32 $0x138800, s5;
	s10 =	sshrl.u32 s8, $0x1;
	s19 =	sshll.u32 s5, $0xB  }
0xc: {  	s5 =	smul.u32 $0x27100, s5;
	s26 =	sadd.s32 s24, s12;
	s24 =	simm.s32 $0xBA00  }
0xd: {  	s7 =	sadd.s32 s7, s2;
	s17 =	ssub.s32 s8, s10;
	s0 =	sadd.s32 s0, s19  }
0xe: {  	s19 =	simm.s32 $0x0;
	s2 =	sadd.s32 s6, s2;
	s18 =	sshrl.u32 s9, $0x3  }
0xf: {  	[dreg:$0x4] =	wrdreg s0;
	s20 =	sadd.s32 $0x1400, s7;
	s22 =	smax.u32 s17, $0x1  }
0x10: {  	s23 =	sadd.s32 s12, s5;
	s0 =	sadd.s32 s25, s26;
	s17 =	simm.s32 $0x50  }
0x11: {  	s26 =	simm.s32 $0xE200;
	s25 =	simm.s32 $0x1AA00;
	[dreg:$0x5] =	wrdreg s20  }
0x12: {  	s8 =	sadd.s32 s12, s18;
	[dreg:$0x7] =	wrdreg s22;
	s9 =	sadd.s32 $0x23F00, s23  }
0x13: {  	s10 =	sadd.s32 $0x1C00, s2;
	s11 =	sadd.s32 $0x2100, s2;
	s12 =	sadd.s32 $0x2600, s2  }
0x14: {  	s13 =	sadd.s32 $0x2B00, s2;
	s14 =	sadd.s32 $0x1900, s0;
	s18 =	simm.s32 $0x4200  }
0x15: {  	s20 =	simm.s32 $0x6A00;
	s22 =	simm.s32 $0x9200;
	s2 =	simm.s32 $0x15A00  }
0x16: {  	s0 =	simm.s32 $0x3;
	s21 =	sadd.s32 $0x25800, s8;
	s8 =	sadd.s32 $0x22600, s23  }
0x17: {  	s23 =	simm.s32 $0x1D200;
	[dreg:$0x6] =	wrdreg s21;
	s21 =	simm.s32 $0x18200  }
.LBB2_1:
0x18: {  	s4 =	rddreg [dreg:$0x4]  }
0x19: {  	[tilespmem:s3], [sflag:$0x4] =	stream.linear.gather [hbm4b:s4+s3], $0x3E80, $0x38;
	[tilespmem:$0x1FA00] =	vst v63  }
0x1a: {  	_ =	swait.ge [sflag:s15], $0x3E80  }
0x1b: {  	[sflag:s15] =	ssyncset.done $0x0  }
0x1c: {  	s6 =	rddreg [dreg:$0x5];
	[sflag:s15] =	ssyncadd.s32 $0xFFFFC180  }
0x1d: {  	[tilespmem:s16], [sflag:$0x4] =	stream.linear.gather [hbm4b:s6+s3], $0x200, $0x38;
	[tilespmem:$0x1FA00] =	vst v63  }
0x1e: {  	_ =	swait.ge [sflag:s15], $0x200  }
0x1f: {  	[sflag:s15] =	ssyncset.done $0x0  }
0x20: {  	[sflag:s15] =	ssyncadd.s32 $0xFFFFFE00  }
0x21: {  	[tilespmem:s18], [sflag:$0x1] =	stream.indirect.gather [hbm4b:s1+s17], $0x80, s3, s17, $0xb8;
	[tilespmem:$0x1FA00] =	vst v63  }
0x22: {  	s7 =	simm.s32 $0x80  }
0x23: {  	[tilespmem:s20], [sflag:$0x1] =	stream.indirect.gather [hbm4b:s1+s17], $0x80, s7, s17, $0xb8;
	[tilespmem:$0x1FA00] =	vst v63  }
0x24: {  	s5 =	simm.s32 $0x100  }
0x25: {  	[tilespmem:s22], [sflag:$0x1] =	stream.indirect.gather [hbm4b:s1+s17], $0x80, s5, s17, $0xb8;
	[tilespmem:$0x1FA00] =	vst v63  }
0x26: {  	s6 =	simm.s32 $0x180  }
0x27: {  	[tilespmem:s24], [sflag:$0x1] =	stream.indirect.gather [hbm4b:s1+s17], $0x80, s6, s17, $0xb8;
	[tilespmem:$0x1FA00] =	vst v63  }
0x28: {  	s7 =	simm.s32 $0x200  }
0x29: {  	[tilespmem:s26], [sflag:$0x1] =	stream.indirect.gather [hbm4b:s1+s17], $0x80, s7, s17, $0xb8;
	[tilespmem:$0x1FA00] =	vst v63  }
0x2a: {  	s5 =	simm.s32 $0x280  }
0x2b: {  	[tilespmem:s29], [sflag:$0x2] =	stream.indirect.gather [hbm4b:s1+s17], $0x80, s5, s17, $0xb8;
	[tilespmem:$0x1FA00] =	vst v63  }
0x2c: {  	s6 =	simm.s32 $0x300  }
0x2d: {  	[tilespmem:s31], [sflag:$0x2] =	stream.indirect.gather [hbm4b:s1+s17], $0x80, s6, s17, $0xb8;
	[tilespmem:$0x1FA00] =	vst v63  }
0x2e: {  	s7 =	simm.s32 $0x380  }
0x2f: {  	[tilespmem:s2], [sflag:$0x2] =	stream.indirect.gather [hbm4b:s1+s17], $0x80, s7, s17, $0xb8;
	[tilespmem:$0x1FA00] =	vst v63  }
0x30: {  	s5 =	simm.s32 $0x400  }
0x31: {  	[tilespmem:s21], [sflag:$0x2] =	stream.indirect.gather [hbm4b:s1+s17], $0x80, s5, s17, $0xb8;
	[tilespmem:$0x1FA00] =	vst v63  }
0x32: {  	s6 =	simm.s32 $0x480  }
0x33: {  	[tilespmem:s25], [sflag:$0x2] =	stream.indirect.gather [hbm4b:s1+s17], $0x80, s6, s17, $0xb8;
	[tilespmem:$0x1FA00] =	vst v63  }
0x34: {  	_ =	swait.ge [sflag:s28], $0x2800  }
0x35: {  	[sflag:s28] =	ssyncset.done $0x0  }
0x36: {  	[sflag:s28] =	ssyncadd.s32 $0xFFFFD800  }
0x37: {  	_ =	swait.ge [sflag:s28], $0x2800  }
0x38: {  	[sflag:s28] =	ssyncset.done $0x0  }
0x39: {  	[sflag:s28] =	ssyncadd.s32 $0xFFFFD800  }
0x3a: {  	_ =	swait.ge [sflag:s28], $0x2800  }
0x3b: {  	[sflag:s28] =	ssyncset.done $0x0  }
0x3c: {  	[sflag:s28] =	ssyncadd.s32 $0xFFFFD800  }
0x3d: {  	_ =	swait.ge [sflag:s28], $0x2800  }
0x3e: {  	[sflag:s28] =	ssyncset.done $0x0  }
0x3f: {  	[sflag:s28] =	ssyncadd.s32 $0xFFFFD800  }
0x40: {  	_ =	swait.ge [sflag:s28], $0x2800  }
0x41: {  	[sflag:s28] =	ssyncset.done $0x0  }
0x42: {  	s7 =	sadd.s32 $0xFFFFE700, s14;
	[sflag:s28] =	ssyncadd.s32 $0xFFFFD800  }
0x43: {  	[hbm4b:s7+s3] =	stream.linear.scatter [tilespmem:s18], [sflag:$0x4], $0xC800, $0x38;
	[tilespmem:$0x1FA00] =	vst v63  }
0x44: {  	_ =	swait.ge [sflag:s15], $0xC800  }
0x45: {  	[sflag:s15] =	ssyncset.done $0x0  }
0x46: {  	s5 =	simm.s32 $0x500;
	[sflag:s15] =	ssyncadd.s32 $0xFFFF3800  }
0x47: {  	[tilespmem:s18], [sflag:$0x1] =	stream.indirect.gather [hbm4b:s1+s17], $0x80, s5, s17, $0xb8;
	[tilespmem:$0x1FA00] =	vst v63  }
0x48: {  	s6 =	simm.s32 $0x580  }
0x49: {  	[tilespmem:s20], [sflag:$0x1] =	stream.indirect.gather [hbm4b:s1+s17], $0x80, s6, s17, $0xb8;
	[tilespmem:$0x1FA00] =	vst v63  }
0x4a: {  	s7 =	simm.s32 $0x600  }
0x4b: {  	[tilespmem:s22], [sflag:$0x1] =	stream.indirect.gather [hbm4b:s1+s17], $0x80, s7, s17, $0xb8;
	[tilespmem:$0x1FA00] =	vst v63  }
0x4c: {  	s5 =	simm.s32 $0x680  }
0x4d: {  	[tilespmem:s24], [sflag:$0x1] =	stream.indirect.gather [hbm4b:s1+s17], $0x80, s5, s17, $0xb8;
	[tilespmem:$0x1FA00] =	vst v63  }
0x4e: {  	s6 =	simm.s32 $0x700  }
0x4f: {  	[tilespmem:s26], [sflag:$0x1] =	stream.indirect.gather [hbm4b:s1+s17], $0x80, s6, s17, $0xb8;
	[tilespmem:$0x1FA00] =	vst v63  }
0x50: {  	_ =	swait.ge [sflag:s30], $0x2800  }
0x51: {  	[sflag:s30] =	ssyncset.done $0x0  }
0x52: {  	[sflag:s30] =	ssyncadd.s32 $0xFFFFD800  }
0x53: {  	_ =	swait.ge [sflag:s30], $0x2800  }
0x54: {  	[sflag:s30] =	ssyncset.done $0x0  }
0x55: {  	[sflag:s30] =	ssyncadd.s32 $0xFFFFD800  }
0x56: {  	_ =	swait.ge [sflag:s30], $0x2800  }
0x57: {  	[sflag:s30] =	ssyncset.done $0x0  }
0x58: {  	[sflag:s30] =	ssyncadd.s32 $0xFFFFD800  }
0x59: {  	_ =	swait.ge [sflag:s30], $0x2800  }
0x5a: {  	[sflag:s30] =	ssyncset.done $0x0  }
0x5b: {  	[sflag:s30] =	ssyncadd.s32 $0xFFFFD800  }
0x5c: {  	_ =	swait.ge [sflag:s30], $0x2800  }
0x5d: {  	[sflag:s30] =	ssyncset.done $0x0  }
0x5e: {  	[sflag:s30] =	ssyncadd.s32 $0xFFFFD800  }
0x5f: {  	[hbm4b:s14+s3] =	stream.linear.scatter [tilespmem:s29], [sflag:$0x4], $0xC800, $0x38;
	[tilespmem:$0x1FA00] =	vst v63  }
0x60: {  	_ =	swait.ge [sflag:s15], $0xC800  }
0x61: {  	[sflag:s15] =	ssyncset.done $0x0  }
0x62: {  	s7 =	simm.s32 $0x780;
	[sflag:s15] =	ssyncadd.s32 $0xFFFF3800  }
0x63: {  	[tilespmem:s29], [sflag:$0x2] =	stream.indirect.gather [hbm4b:s1+s17], $0x80, s7, s17, $0xb8;
	[tilespmem:$0x1FA00] =	vst v63  }
0x64: {  	s5 =	simm.s32 $0x800  }
0x65: {  	[tilespmem:s31], [sflag:$0x2] =	stream.indirect.gather [hbm4b:s1+s17], $0x80, s5, s17, $0xb8;
	[tilespmem:$0x1FA00] =	vst v63  }
0x66: {  	s4 =	simm.s32 $0x1400;
	s6 =	simm.s32 $0x880  }
0x67: {  	[tilespmem:s2], [sflag:$0x2] =	stream.indirect.gather [hbm4b:s1+s17], $0x80, s6, s17, $0xb8;
	[tilespmem:$0x1FA00] =	vst v63  }
0x68: {  	s7 =	simm.s32 $0x900;
	s5 =	sadd.s32 $0x3200, s14;
	s6 =	simm.s32 $0x980  }
0x69: {  	[tilespmem:s21], [sflag:$0x2] =	stream.indirect.gather [hbm4b:s1+s17], $0x80, s7, s17, $0xb8;
	[tilespmem:$0x1FA00] =	vst v63  }
.LBB2_2:
0x6a: {  	[tilespmem:s25], [sflag:$0x2] =	stream.indirect.gather [hbm4b:s1+s17], $0x80, s6, s17, $0xb8;
	[tilespmem:$0x1FA00] =	vst v63  }
0x6b: {  	s6 =	smov.u32 s4  }
0x6c: {  	p0 =	sne.s32 s4, $0xC800;
	s4 =	sadd.s32 $0x1400, s4;
	_ =	swait.ge [sflag:s28], $0x2800  }
0x6d: {  	[sflag:s28] =	ssyncset.done $0x0  }
0x6e: {  	[sflag:s28] =	ssyncadd.s32 $0xFFFFD800  }
0x6f: {  	_ =	swait.ge [sflag:s28], $0x2800  }
0x70: {  	[sflag:s28] =	ssyncset.done $0x0  }
0x71: {  	[sflag:s28] =	ssyncadd.s32 $0xFFFFD800  }
0x72: {  	_ =	swait.ge [sflag:s28], $0x2800  }
0x73: {  	[sflag:s28] =	ssyncset.done $0x0  }
0x74: {  	[sflag:s28] =	ssyncadd.s32 $0xFFFFD800  }
0x75: {  	_ =	swait.ge [sflag:s28], $0x2800  }
0x76: {  	[sflag:s28] =	ssyncset.done $0x0  }
0x77: {  	[sflag:s28] =	ssyncadd.s32 $0xFFFFD800  }
0x78: {  	_ =	swait.ge [sflag:s28], $0x2800  }
0x79: {  	[sflag:s28] =	ssyncset.done $0x0  }
0x7a: {  	s7 =	sadd.s32 $0xFFFFE700, s5;
	[sflag:s28] =	ssyncadd.s32 $0xFFFFD800  }
0x7b: {  	[hbm4b:s7+s3] =	stream.linear.scatter [tilespmem:s18], [sflag:$0x4], $0xC800, $0x38;
	[tilespmem:$0x1FA00] =	vst v63  }
0x7c: {  	_ =	swait.ge [sflag:s15], $0xC800  }
0x7d: {  	s6 =	sshra.s32 s6, $0x2;
	[sflag:s15] =	ssyncset.done $0x0  }
0x7e: {  	s7 =	sadd.s32 $0x500, s6;
	[sflag:s15] =	ssyncadd.s32 $0xFFFF3800  }
0x7f: {  	[tilespmem:s18], [sflag:$0x1] =	stream.indirect.gather [hbm4b:s1+s17], $0x80, s7, s17, $0xb8;
	[tilespmem:$0x1FA00] =	vst v63  }
0x80: {  	s7 =	sadd.s32 $0x580, s6  }
0x81: {  	[tilespmem:s20], [sflag:$0x1] =	stream.indirect.gather [hbm4b:s1+s17], $0x80, s7, s17, $0xb8;
	[tilespmem:$0x1FA00] =	vst v63  }
0x82: {  	s7 =	sadd.s32 $0x600, s6  }
0x83: {  	[tilespmem:s22], [sflag:$0x1] =	stream.indirect.gather [hbm4b:s1+s17], $0x80, s7, s17, $0xb8;
	[tilespmem:$0x1FA00] =	vst v63  }
0x84: {  	s7 =	sadd.s32 $0x680, s6  }
0x85: {  	[tilespmem:s24], [sflag:$0x1] =	stream.indirect.gather [hbm4b:s1+s17], $0x80, s7, s17, $0xb8;
	[tilespmem:$0x1FA00] =	vst v63  }
0x86: {  	s7 =	sadd.s32 $0x700, s6  }
0x87: {  	[tilespmem:s26], [sflag:$0x1] =	stream.indirect.gather [hbm4b:s1+s17], $0x80, s7, s17, $0xb8;
	[tilespmem:$0x1FA00] =	vst v63  }
0x88: {  	_ =	swait.ge [sflag:s30], $0x2800  }
0x89: {  	[sflag:s30] =	ssyncset.done $0x0  }
0x8a: {  	[sflag:s30] =	ssyncadd.s32 $0xFFFFD800  }
0x8b: {  	_ =	swait.ge [sflag:s30], $0x2800  }
0x8c: {  	[sflag:s30] =	ssyncset.done $0x0  }
0x8d: {  	[sflag:s30] =	ssyncadd.s32 $0xFFFFD800  }
0x8e: {  	_ =	swait.ge [sflag:s30], $0x2800  }
0x8f: {  	[sflag:s30] =	ssyncset.done $0x0  }
0x90: {  	[sflag:s30] =	ssyncadd.s32 $0xFFFFD800  }
0x91: {  	_ =	swait.ge [sflag:s30], $0x2800  }
0x92: {  	[sflag:s30] =	ssyncset.done $0x0  }
0x93: {  	[sflag:s30] =	ssyncadd.s32 $0xFFFFD800  }
0x94: {  	_ =	swait.ge [sflag:s30], $0x2800  }
0x95: {  	[sflag:s30] =	ssyncset.done $0x0  }
0x96: {  	[sflag:s30] =	ssyncadd.s32 $0xFFFFD800  }
0x97: {  	[hbm4b:s5+s3] =	stream.linear.scatter [tilespmem:s29], [sflag:$0x4], $0xC800, $0x38;
	[tilespmem:$0x1FA00] =	vst v63  }
0x98: {  	_ =	swait.ge [sflag:s15], $0xC800  }
0x99: {  	[sflag:s15] =	ssyncset.done $0x0  }
0x9a: {  	s7 =	sadd.s32 $0x780, s6;
	[sflag:s15] =	ssyncadd.s32 $0xFFFF3800  }
0x9b: {  	[tilespmem:s29], [sflag:$0x2] =	stream.indirect.gather [hbm4b:s1+s17], $0x80, s7, s17, $0xb8;
	[tilespmem:$0x1FA00] =	vst v63  }
0x9c: {  	s7 =	sadd.s32 $0x800, s6  }
0x9d: {  	[tilespmem:s31], [sflag:$0x2] =	stream.indirect.gather [hbm4b:s1+s17], $0x80, s7, s17, $0xb8;
	[tilespmem:$0x1FA00] =	vst v63  }
.Ltmp0:
0x9e: {  	s7 =	sadd.s32 $0x880, s6;
	(pc) =	sbr.rel @p0 .LBB2_2-.Ltmp0, $4  }
0x9f: {  	[tilespmem:s2], [sflag:$0x2] =	stream.indirect.gather [hbm4b:s1+s17], $0x80, s7, s17, $0xb8;
	[tilespmem:$0x1FA00] =	vst v63  }
0xa0: {  	s7 =	sadd.s32 $0x900, s6  }
0xa1: {  	[tilespmem:s21], [sflag:$0x2] =	stream.indirect.gather [hbm4b:s1+s17], $0x80, s7, s17, $0xb8;
	[tilespmem:$0x1FA00] =	vst v63  }
0xa2: {  	s5 =	sadd.s32 $0x3200, s5;
	s6 =	sadd.s32 $0x980, s6  }
0xa3: {  	[tilespmem:s25], [sflag:$0x2] =	stream.indirect.gather [hbm4b:s1+s17], $0x80, s6, s17, $0xb8;
	[tilespmem:$0x1FA00] =	vst v63  }
0xa4: {  	_ =	swait.ge [sflag:s28], $0x2800  }
0xa5: {  	[sflag:s28] =	ssyncset.done $0x0  }
0xa6: {  	[sflag:s28] =	ssyncadd.s32 $0xFFFFD800  }
0xa7: {  	_ =	swait.ge [sflag:s28], $0x2800  }
0xa8: {  	[sflag:s28] =	ssyncset.done $0x0  }
0xa9: {  	[sflag:s28] =	ssyncadd.s32 $0xFFFFD800  }
0xaa: {  	_ =	swait.ge [sflag:s28], $0x2800  }
0xab: {  	[sflag:s28] =	ssyncset.done $0x0  }
0xac: {  	[sflag:s28] =	ssyncadd.s32 $0xFFFFD800  }
0xad: {  	_ =	swait.ge [sflag:s28], $0x2800  }
0xae: {  	[sflag:s28] =	ssyncset.done $0x0  }
0xaf: {  	[sflag:s28] =	ssyncadd.s32 $0xFFFFD800  }
0xb0: {  	_ =	swait.ge [sflag:s28], $0x2800  }
0xb1: {  	[sflag:s28] =	ssyncset.done $0x0  }
0xb2: {  	[sflag:s28] =	ssyncadd.s32 $0xFFFFD800  }
0xb3: {  	[hbm4b:s8+s3] =	stream.linear.scatter [tilespmem:s18], [sflag:$0x4], $0xC800, $0x38;
	[tilespmem:$0x1FA00] =	vst v63  }
0xb4: {  	_ =	swait.ge [sflag:s15], $0xC800  }
0xb5: {  	[sflag:s15] =	ssyncset.done $0x0  }
0xb6: {  	s4 =	simm.s32 $0x3C00;
	[sflag:s15] =	ssyncadd.s32 $0xFFFF3800  }
0xb7: {  	[tilespmem:s18], [sflag:$0x1] =	stream.indirect.gather [hbm4b:s1+s17], $0x80, s4, s17, $0xb8;
	[tilespmem:$0x1FA00] =	vst v63  }
0xb8: {  	s5 =	simm.s32 $0x3C80  }
0xb9: {  	[tilespmem:s20], [sflag:$0x1] =	stream.indirect.gather [hbm4b:s1+s17], $0x80, s5, s17, $0xb8;
	[tilespmem:$0x1FA00] =	vst v63  }
0xba: {  	s6 =	simm.s32 $0x3D00  }
0xbb: {  	[tilespmem:s22], [sflag:$0x1] =	stream.indirect.gather [hbm4b:s1+s17], $0x80, s6, s17, $0xb8;
	[tilespmem:$0x1FA00] =	vst v63  }
0xbc: {  	s7 =	simm.s32 $0x3D80  }
0xbd: {  	[tilespmem:s24], [sflag:$0x1] =	stream.indirect.gather [hbm4b:s1+s17], $0x80, s7, s17, $0xb8;
	[tilespmem:$0x1FA00] =	vst v63  }
0xbe: {  	s5 =	simm.s32 $0x3E00  }
0xbf: {  	[tilespmem:s26], [sflag:$0x1] =	stream.indirect.gather [hbm4b:s1+s17], $0x80, s5, s17, $0xb8;
	[tilespmem:$0x1FA00] =	vst v63  }
0xc0: {  	_ =	swait.ge [sflag:s30], $0x2800  }
0xc1: {  	[sflag:s30] =	ssyncset.done $0x0  }
0xc2: {  	[sflag:s30] =	ssyncadd.s32 $0xFFFFD800  }
0xc3: {  	_ =	swait.ge [sflag:s30], $0x2800  }
0xc4: {  	[sflag:s30] =	ssyncset.done $0x0  }
0xc5: {  	[sflag:s30] =	ssyncadd.s32 $0xFFFFD800  }
0xc6: {  	_ =	swait.ge [sflag:s30], $0x2800  }
0xc7: {  	[sflag:s30] =	ssyncset.done $0x0  }
0xc8: {  	[sflag:s30] =	ssyncadd.s32 $0xFFFFD800  }
0xc9: {  	_ =	swait.ge [sflag:s30], $0x2800  }
0xca: {  	[sflag:s30] =	ssyncset.done $0x0  }
0xcb: {  	[sflag:s30] =	ssyncadd.s32 $0xFFFFD800  }
0xcc: {  	_ =	swait.ge [sflag:s30], $0x2800  }
0xcd: {  	[sflag:s30] =	ssyncset.done $0x0  }
0xce: {  	[sflag:s30] =	ssyncadd.s32 $0xFFFFD800  }
0xcf: {  	[hbm4b:s9+s3] =	stream.linear.scatter [tilespmem:s29], [sflag:$0x4], $0xC800, $0x38;
	[tilespmem:$0x1FA00] =	vst v63  }
0xd0: {  	_ =	swait.ge [sflag:s15], $0xC800  }
0xd1: {  	[sflag:s15] =	ssyncset.done $0x0  }
0xd2: {  	[sflag:s15] =	ssyncadd.s32 $0xFFFF3800  }
0xd3: {  	_ =	swait.ge [sflag:s28], $0x2800  }
0xd4: {  	[sflag:s28] =	ssyncset.done $0x0  }
0xd5: {  	[sflag:s28] =	ssyncadd.s32 $0xFFFFD800  }
0xd6: {  	_ =	swait.ge [sflag:s28], $0x2800  }
0xd7: {  	[sflag:s28] =	ssyncset.done $0x0  }
0xd8: {  	[sflag:s28] =	ssyncadd.s32 $0xFFFFD800  }
0xd9: {  	_ =	swait.ge [sflag:s28], $0x2800  }
0xda: {  	[sflag:s28] =	ssyncset.done $0x0  }
0xdb: {  	[sflag:s28] =	ssyncadd.s32 $0xFFFFD800  }
0xdc: {  	_ =	swait.ge [sflag:s28], $0x2800  }
0xdd: {  	[sflag:s28] =	ssyncset.done $0x0  }
0xde: {  	[sflag:s28] =	ssyncadd.s32 $0xFFFFD800  }
0xdf: {  	_ =	swait.ge [sflag:s28], $0x2800  }
0xe0: {  	[sflag:s28] =	ssyncset.done $0x0  }
0xe1: {  	s6 =	rddreg [dreg:$0x6];
	[sflag:s28] =	ssyncadd.s32 $0xFFFFD800  }
0xe2: {  	[hbm4b:s6+s3] =	stream.linear.scatter [tilespmem:s18], [sflag:$0x4], $0xC800, $0x38;
	[tilespmem:$0x1FA00] =	vst v63  }
0xe3: {  	_ =	swait.ge [sflag:s15], $0xC800  }
0xe4: {  	[sflag:s15] =	ssyncset.done $0x0  }
0xe5: {  	[sflag:s15] =	ssyncadd.s32 $0xFFFF3800  }
0xe6: {  	[tilespmem:s23], [sflag:$0x3] =	stream.indirect.gather [hbm4b:s1+s17], $0x80, s16, s17, $0xb8;
	[tilespmem:$0x1FA00] =	vst v63  }
0xe7: {  	_ =	swait.ge [sflag:s0], $0x2800  }
0xe8: {  	[sflag:s0] =	ssyncset.done $0x0  }
0xe9: {  	[sflag:s0] =	ssyncadd.s32 $0xFFFFD800  }
0xea: {  	[hbm4b:s10+s3] =	stream.linear.scatter [tilespmem:s23], [sflag:$0x4], $0x2800, $0x38;
	[tilespmem:$0x1FA00] =	vst v63  }
0xeb: {  	_ =	swait.ge [sflag:s15], $0x2800  }
0xec: {  	[sflag:s15] =	ssyncset.done $0x0  }
0xed: {  	s7 =	simm.s32 $0x4080;
	[sflag:s15] =	ssyncadd.s32 $0xFFFFD800  }
0xee: {  	[tilespmem:s23], [sflag:$0x3] =	stream.indirect.gather [hbm4b:s1+s17], $0x80, s7, s17, $0xb8;
	[tilespmem:$0x1FA00] =	vst v63  }
0xef: {  	_ =	swait.ge [sflag:s0], $0x2800  }
0xf0: {  	[sflag:s0] =	ssyncset.done $0x0  }
0xf1: {  	[sflag:s0] =	ssyncadd.s32 $0xFFFFD800  }
0xf2: {  	[hbm4b:s11+s3] =	stream.linear.scatter [tilespmem:s23], [sflag:$0x4], $0x2800, $0x38;
	[tilespmem:$0x1FA00] =	vst v63  }
0xf3: {  	_ =	swait.ge [sflag:s15], $0x2800  }
0xf4: {  	[sflag:s15] =	ssyncset.done $0x0  }
0xf5: {  	s5 =	simm.s32 $0x4100;
	[sflag:s15] =	ssyncadd.s32 $0xFFFFD800  }
0xf6: {  	[tilespmem:s23], [sflag:$0x3] =	stream.indirect.gather [hbm4b:s1+s17], $0x80, s5, s17, $0xb8;
	[tilespmem:$0x1FA00] =	vst v63  }
0xf7: {  	_ =	swait.ge [sflag:s0], $0x2800  }
0xf8: {  	[sflag:s0] =	ssyncset.done $0x0  }
0xf9: {  	[sflag:s0] =	ssyncadd.s32 $0xFFFFD800  }
0xfa: {  	[hbm4b:s12+s3] =	stream.linear.scatter [tilespmem:s23], [sflag:$0x4], $0x2800, $0x38;
	[tilespmem:$0x1FA00] =	vst v63  }
0xfb: {  	_ =	swait.ge [sflag:s15], $0x2800  }
0xfc: {  	[sflag:s15] =	ssyncset.done $0x0  }
0xfd: {  	s6 =	simm.s32 $0x4180;
	[sflag:s15] =	ssyncadd.s32 $0xFFFFD800  }
0xfe: {  	[tilespmem:s23], [sflag:$0x3] =	stream.indirect.gather [hbm4b:s1+s17], $0x80, s6, s17, $0xb8;
	[tilespmem:$0x1FA00] =	vst v63  }
0xff: {  	_ =	swait.ge [sflag:s0], $0x2800  }
0x100: {  	[sflag:s0] =	ssyncset.done $0x0  }
0x101: {  	[sflag:s0] =	ssyncadd.s32 $0xFFFFD800  }
0x102: {  	[hbm4b:s13+s3] =	stream.linear.scatter [tilespmem:s23], [sflag:$0x4], $0x2800, $0x38;
	[tilespmem:$0x1FA00] =	vst v63  }
0x103: {  	_ =	swait.ge [sflag:s15], $0x2800  }
0x104: {  	s19 =	sadd.s32 $0x1, s19;
	s7 =	rddreg [dreg:$0x7]  }
0x105: {  	p0 =	sne.s32 s19, s7  }
.Ltmp1:
0x106: {  	_ = 	snop;
	(pc) =	sbr.rel @p0 .LBB2_1-.Ltmp1, $3  }
0x107: {  	_ =	sdelay $0x1  }
0x108: {  	[sflag:s15] =	ssyncset.done $0x0  }
0x109: {  	[sflag:s15] =	ssyncadd.s32 $0xFFFFD800  }
0x10a: {  	_ =	sfence.sel $0x180000  }
0x10b: {  	[bflag:$0x0] =	sbarrier.arrive $0xFFFF  }
0x10c: {  	_ =	strace $0x90000047  }
0x10d: {  	s0 =	stileid.u32;
	[bflag:$0x2] =	sbarrier.arrive $0xFFFF  }
0x10e: {  	p0 =	sne.s32 s0, $0x0;
	s0 =	rddreg [dreg:$0x3]  }
0x10f: {  	s0 =	sadd.s32 @!p0 $0x100000, s0  }
0x110: {  	[sflag:s0] =	ssyncadd.tile.s32 @!p0 $0x1;
	_ =	shalt  }
.Lfunc_end2:
_tile_overlayer_lowered:
.L_overlay_start_2:
0x111: {  	(tag) =	ssettag $0x2  }
0x112: {  	s0 =	rddreg [dreg:$0x0];
	s2 =	stileid.u32  }
0x113: {  	s1 =	rddreg [dreg:$0x1];
	p0 =	sne.s32 s2, $0x0  }
0x114: {  	s3 =	rddreg [dreg:$0x2];
	[bflag:$0x3] =	sbarrier.arrive $0xFFFF;
	s2 =	simm.s32 @!p0 $0x1C04  }
0x115: {  	[timem:s3], [sflag:s2] =	dma.local @!p0 [hbm:s0], s1  }
0x116: {  	s0 =	simm.s32 @!p0 $0x4  }
0x117: {  	_ =	swait.ge @!p0 [sflag:s0], s1  }
0x118: {  	s1 =	ssub.s32 @!p0 $0x0, s1;
	[sflag:s0] =	ssyncset.done @!p0 $0x0  }
0x119: {  	[sflag:s0] =	ssyncadd.s32 @!p0 s1  }
0x11a: {  	[bflag:$0x3] =	sbarrier.arrive $0xFFFF  }
0x11b: {  	_ =	shalt  }

</sc_bundles>
